<compile_context>
chip_gen: v7x
topology: tpu7x:2x2x1
jax: 0.10.2.dev20260603
libtpu: 0.0.44.dev20260713+nightly
codegen_flags: <defaults>
</compile_context>

<pallas_src>
import functools

import jax
import jax.numpy as jnp
from jax import lax
from jax.experimental import pallas as pl
from jax.experimental.pallas import tpu as pltpu
from jax.experimental.pallas import tpu_sc as plsc

_RATIO = 0.75
_T, _B, _C = 576, 64, 768
_REMAIN_T = int(_T * (1 - _RATIO))

_NC, _NS = 2, 16
_NW = _NC * _NS
_ROWS = _REMAIN_T * _B
_ROWS_PER_W = _ROWS // _NW
_N_CHUNKS = 6
_CHUNK = _ROWS_PER_W // _N_CHUNKS
_NBUF = 3


@functools.partial(
    pl.kernel,
    mesh=plsc.VectorSubcoreMesh(core_axis_name="c", subcore_axis_name="s"),
    out_type=jax.ShapeDtypeStruct((_ROWS, _C), jnp.float32),
    scratch_types=[
        pltpu.VMEM((_N_CHUNKS, _CHUNK), jnp.int32),
        pltpu.VMEM((_CHUNK, _C), jnp.float32),
        pltpu.VMEM((_CHUNK, _C), jnp.float32),
        pltpu.VMEM((_CHUNK, _C), jnp.float32),
        pltpu.SemaphoreType.DMA((_NBUF,)),
        pltpu.SemaphoreType.DMA((_NBUF,)),
    ],
)
def _gather_rows(table_hbm, idx_hbm, out_hbm, idx_v, r0, r1, r2, gsem, ssem):
    wid = lax.axis_index("s") * _NC + lax.axis_index("c")
    pltpu.sync_copy(idx_hbm.at[wid], idx_v)
    base = wid * _ROWS_PER_W
    bufs = (r0, r1, r2)
    gcp = [None] * _N_CHUNKS
    scp = [None] * _N_CHUNKS
    for j in range(_NBUF):
        gcp[j] = pltpu.async_copy(table_hbm.at[idx_v.at[j]], bufs[j], gsem.at[j])
    for j in range(_N_CHUNKS):
        b = j % _NBUF
        gcp[j].wait()
        scp[j] = pltpu.async_copy(
            bufs[b], out_hbm.at[pl.ds(base + j * _CHUNK, _CHUNK)], ssem.at[b]
        )
        nxt = j + _NBUF
        if nxt < _N_CHUNKS:
            scp[j].wait()
            gcp[nxt] = pltpu.async_copy(
                table_hbm.at[idx_v.at[nxt]], bufs[b], gsem.at[b]
            )
    for j in range(_N_CHUNKS - _NBUF, _N_CHUNKS):
        scp[j].wait()


def kernel(patches):
    noise = jax.random.uniform(jax.random.key(42), (_T, _B), dtype=jnp.float32)
    fwd = jnp.argsort(noise, axis=0)
    bwd = jnp.argsort(fwd, axis=0)
    flat_idx = (
        fwd[:_REMAIN_T].astype(jnp.int32) * _B
        + jnp.arange(_B, dtype=jnp.int32)[None, :]
    ).reshape(_NW, _N_CHUNKS, _CHUNK)
    table = patches.reshape(_T * _B, _C)
    out_flat = _gather_rows(table, flat_idx)
    return (out_flat.reshape(_REMAIN_T, _B, _C), fwd, bwd)

# --- scband reference (transcript-rebuilt; emitter-appended) ---
"""Pipeline reference for scband-patch-shuffle-37615323578415 (READ-ONLY COPY).

The authoritative reference and input builder live on the scoring server;
editing this copy changes nothing except your own understanding.
"""

import jax, jax.numpy as jnp
import numpy as np

RATIO = 0.75

def setup_inputs(seed: int = 0) -> dict:
    key = jax.random.key(seed)
    patches = jax.random.normal(key, (576, 64, 768), dtype=jnp.float32)
    return {"patches": patches}

def reference(patches):
    T, B, C = patches.shape
    remain_T = int(T * (1 - RATIO))
    # torch.rand(T, B) equivalent: deterministic uniform noise
    noise = jax.random.uniform(jax.random.key(42), (T, B), dtype=jnp.float32)
    forward_indexes = jnp.argsort(noise, axis=0)
    backward_indexes = jnp.argsort(forward_indexes, axis=0)
    # take_indexes: gather along dim 0 with indexes broadcast over channel dim
    shuffled = jnp.take_along_axis(patches, forward_indexes[:, :, None], axis=0)
    out = shuffled[:remain_T]
    return (out, forward_indexes, backward_indexes)

if __name__ == "__main__":
    import jax
    _d = setup_inputs()
    print(jax.jit(kernel)(*tuple(_d.values())))

</pallas_src>

<mosaic_0001>
#map = affine_map<(d0, d1) -> (0, 0)>
#map1 = affine_map<(d0, d1) -> (0, 0, 0)>
module attributes {stable_mosaic.version = 14 : i64} {
  func.func @_gather_rows(%arg0: i32, %arg1: i32, %arg2: memref<36864x768xf32, #tpu.memory_space<hbm>>, %arg3: memref<32x6x48xi32, #tpu.memory_space<hbm>>, %arg4: memref<9216x768xf32, #tpu.memory_space<hbm>>, %arg5: memref<6x48xi32, #tpu.memory_space<vmem>>, %arg6: memref<48x768xf32, #tpu.memory_space<vmem>>, %arg7: memref<48x768xf32, #tpu.memory_space<vmem>>, %arg8: memref<48x768xf32, #tpu.memory_space<vmem>>, %arg9: memref<3x!tpu.dma_semaphore, #tpu.memory_space<semaphore_mem>>, %arg10: memref<3x!tpu.dma_semaphore, #tpu.memory_space<semaphore_mem>>) attributes {dimension_semantics = [#tpu.dimension_semantics<core_parallel>, #tpu.dimension_semantics<subcore_parallel>], iteration_bounds = array<i64: 2, 16>, scalar_prefetch = 0 : i64, scratch_operands = 6 : i64, tpu.core_type = #tpu.core_type<sc_vector_subcore>, window_params = [{transform_indices = #map}, {transform_indices = #map1}, {transform_indices = #map}]} {
    %mul3A = arith.constant 2 : i32
    %mul3A_0 = arith.muli %arg1, %mul3A : i32
    %add3A = arith.addi %mul3A_0, %arg0 : i32
    "tpu.region"() ({
      %run_scoped3A = tpu.sem_alloc : memref<!tpu.dma_semaphore, #tpu.memory_space<semaphore_mem>>
      %dma_start3A_217 = arith.constant 0 : i32
      %dma_start3A_218 = arith.constant 0 : i32
      %dma_start3A_219 = tpu.memref_slice %arg3[%add3A, %dma_start3A_217, %dma_start3A_218] : memref<32x6x48xi32, #tpu.memory_space<hbm>> -> memref<1x6x48xi32, #tpu.memory_space<hbm>>
      %dma_start3A_220 = tpu.memref_squeeze %dma_start3A_219 : memref<1x6x48xi32, #tpu.memory_space<hbm>> -> memref<6x48xi32, #tpu.memory_space<hbm>>
      %dma_start3A_221 = arith.constant 0 : i32
      %dma_start3A_222 = arith.constant 0 : i32
      %dma_start3A_223 = tpu.memref_slice %arg3[%add3A, %dma_start3A_221, %dma_start3A_222] : memref<32x6x48xi32, #tpu.memory_space<hbm>> -> memref<1x6x48xi32, #tpu.memory_space<hbm>>
      %dma_start3A_224 = tpu.memref_squeeze %dma_start3A_223 : memref<1x6x48xi32, #tpu.memory_space<hbm>> -> memref<6x48xi32, #tpu.memory_space<hbm>>
      tpu.enqueue_dma source(%dma_start3A_224 : memref<6x48xi32, #tpu.memory_space<hbm>>) target(%arg5 : memref<6x48xi32, #tpu.memory_space<vmem>>) target_semaphore(%run_scoped3A : memref<!tpu.dma_semaphore, #tpu.memory_space<semaphore_mem>>)
      %dma_wait3A_225 = arith.constant 0 : i32
      %dma_wait3A_226 = arith.constant 0 : i32
      %dma_wait3A_227 = tpu.memref_slice %arg3[%add3A, %dma_wait3A_225, %dma_wait3A_226] : memref<32x6x48xi32, #tpu.memory_space<hbm>> -> memref<1x6x48xi32, #tpu.memory_space<hbm>>
      %dma_wait3A_228 = tpu.memref_squeeze %dma_wait3A_227 : memref<1x6x48xi32, #tpu.memory_space<hbm>> -> memref<6x48xi32, #tpu.memory_space<hbm>>
      %dma_wait3A_229 = arith.constant 0 : i32
      %dma_wait3A_230 = arith.constant 0 : i32
      %dma_wait3A_231 = tpu.memref_slice %arg3[%add3A, %dma_wait3A_229, %dma_wait3A_230] : memref<32x6x48xi32, #tpu.memory_space<hbm>> -> memref<1x6x48xi32, #tpu.memory_space<hbm>>
      %dma_wait3A_232 = tpu.memref_squeeze %dma_wait3A_231 : memref<1x6x48xi32, #tpu.memory_space<hbm>> -> memref<6x48xi32, #tpu.memory_space<hbm>>
      tpu.wait_dma2 semaphore(%run_scoped3A : memref<!tpu.dma_semaphore, #tpu.memory_space<semaphore_mem>>) src(%dma_wait3A_232 : memref<6x48xi32, #tpu.memory_space<hbm>>) dst(%arg5 : memref<6x48xi32, #tpu.memory_space<vmem>>)
      tpu.yield
    }) : () -> ()
    %mul3A_1 = arith.constant 288 : i32
    %mul3A_2 = arith.muli %add3A, %mul3A_1 : i32
    %dma_start3A = arith.constant 0 : i32
    %dma_start3A_3 = arith.constant 0 : i32
    %dma_start3A_4 = arith.constant 0 : i32
    %dma_start3A_5 = tpu.memref_slice %arg5[%dma_start3A, %dma_start3A_4] : memref<6x48xi32, #tpu.memory_space<vmem>> -> memref<1x48xi32, #tpu.memory_space<vmem>>
    %dma_start3A_6 = tpu.memref_squeeze %dma_start3A_5 : memref<1x48xi32, #tpu.memory_space<vmem>> -> memref<48xi32, #tpu.memory_space<vmem>>
    %dma_start3A_7 = arith.constant 0 : i32
    %dma_start3A_8 = arith.constant 0 : i32
    %dma_start3A_9 = tpu.memref_slice %arg2[%dma_start3A_7, %dma_start3A_8] : memref<36864x768xf32, #tpu.memory_space<hbm>> -> memref<36864x768xf32, #tpu.memory_space<hbm>>
    %dma_start3A_10 = tpu.memref_slice %arg9[%dma_start3A_3] : memref<3x!tpu.dma_semaphore, #tpu.memory_space<semaphore_mem>> -> memref<1x!tpu.dma_semaphore, #tpu.memory_space<semaphore_mem>>
    %dma_start3A_11 = tpu.memref_squeeze %dma_start3A_10 : memref<1x!tpu.dma_semaphore, #tpu.memory_space<semaphore_mem>> -> memref<!tpu.dma_semaphore, #tpu.memory_space<semaphore_mem>>
    tpu.enqueue_indirect_dma source(%dma_start3A_9 : memref<36864x768xf32, #tpu.memory_space<hbm>>) target(%arg6 : memref<48x768xf32, #tpu.memory_space<vmem>>) offsets(%dma_start3A_6 : memref<48xi32, #tpu.memory_space<vmem>>) semaphore(%dma_start3A_11 : memref<!tpu.dma_semaphore, #tpu.memory_space<semaphore_mem>>)
    %dma_start3A_12 = arith.constant 1 : i32
    %dma_start3A_13 = arith.constant 1 : i32
    %dma_start3A_14 = arith.constant 0 : i32
    %dma_start3A_15 = tpu.memref_slice %arg5[%dma_start3A_12, %dma_start3A_14] : memref<6x48xi32, #tpu.memory_space<vmem>> -> memref<1x48xi32, #tpu.memory_space<vmem>>
    %dma_start3A_16 = tpu.memref_squeeze %dma_start3A_15 : memref<1x48xi32, #tpu.memory_space<vmem>> -> memref<48xi32, #tpu.memory_space<vmem>>
    %dma_start3A_17 = arith.constant 0 : i32
    %dma_start3A_18 = arith.constant 0 : i32
    %dma_start3A_19 = tpu.memref_slice %arg2[%dma_start3A_17, %dma_start3A_18] : memref<36864x768xf32, #tpu.memory_space<hbm>> -> memref<36864x768xf32, #tpu.memory_space<hbm>>
    %dma_start3A_20 = tpu.memref_slice %arg9[%dma_start3A_13] : memref<3x!tpu.dma_semaphore, #tpu.memory_space<semaphore_mem>> -> memref<1x!tpu.dma_semaphore, #tpu.memory_space<semaphore_mem>>
    %dma_start3A_21 = tpu.memref_squeeze %dma_start3A_20 : memref<1x!tpu.dma_semaphore, #tpu.memory_space<semaphore_mem>> -> memref<!tpu.dma_semaphore, #tpu.memory_space<semaphore_mem>>
    tpu.enqueue_indirect_dma source(%dma_start3A_19 : memref<36864x768xf32, #tpu.memory_space<hbm>>) target(%arg7 : memref<48x768xf32, #tpu.memory_space<vmem>>) offsets(%dma_start3A_16 : memref<48xi32, #tpu.memory_space<vmem>>) semaphore(%dma_start3A_21 : memref<!tpu.dma_semaphore, #tpu.memory_space<semaphore_mem>>)
    %dma_start3A_22 = arith.constant 2 : i32
    %dma_start3A_23 = arith.constant 2 : i32
    %dma_start3A_24 = arith.constant 0 : i32
    %dma_start3A_25 = tpu.memref_slice %arg5[%dma_start3A_22, %dma_start3A_24] : memref<6x48xi32, #tpu.memory_space<vmem>> -> memref<1x48xi32, #tpu.memory_space<vmem>>
    %dma_start3A_26 = tpu.memref_squeeze %dma_start3A_25 : memref<1x48xi32, #tpu.memory_space<vmem>> -> memref<48xi32, #tpu.memory_space<vmem>>
    %dma_start3A_27 = arith.constant 0 : i32
    %dma_start3A_28 = arith.constant 0 : i32
    %dma_start3A_29 = tpu.memref_slice %arg2[%dma_start3A_27, %dma_start3A_28] : memref<36864x768xf32, #tpu.memory_space<hbm>> -> memref<36864x768xf32, #tpu.memory_space<hbm>>
    %dma_start3A_30 = tpu.memref_slice %arg9[%dma_start3A_23] : memref<3x!tpu.dma_semaphore, #tpu.memory_space<semaphore_mem>> -> memref<1x!tpu.dma_semaphore, #tpu.memory_space<semaphore_mem>>
    %dma_start3A_31 = tpu.memref_squeeze %dma_start3A_30 : memref<1x!tpu.dma_semaphore, #tpu.memory_space<semaphore_mem>> -> memref<!tpu.dma_semaphore, #tpu.memory_space<semaphore_mem>>
    tpu.enqueue_indirect_dma source(%dma_start3A_29 : memref<36864x768xf32, #tpu.memory_space<hbm>>) target(%arg8 : memref<48x768xf32, #tpu.memory_space<vmem>>) offsets(%dma_start3A_26 : memref<48xi32, #tpu.memory_space<vmem>>) semaphore(%dma_start3A_31 : memref<!tpu.dma_semaphore, #tpu.memory_space<semaphore_mem>>)
    %dma_wait3A = arith.constant 0 : i32
    %dma_wait3A_32 = arith.constant 0 : i32
    %dma_wait3A_33 = arith.constant 0 : i32
    %dma_wait3A_34 = tpu.memref_slice %arg5[%dma_wait3A, %dma_wait3A_33] : memref<6x48xi32, #tpu.memory_space<vmem>> -> memref<1x48xi32, #tpu.memory_space<vmem>>
    %dma_wait3A_35 = tpu.memref_squeeze %dma_wait3A_34 : memref<1x48xi32, #tpu.memory_space<vmem>> -> memref<48xi32, #tpu.memory_space<vmem>>
    %dma_wait3A_36 = arith.constant 0 : i32
    %dma_wait3A_37 = arith.constant 0 : i32
    %dma_wait3A_38 = tpu.memref_slice %arg2[%dma_wait3A_36, %dma_wait3A_37] : memref<36864x768xf32, #tpu.memory_space<hbm>> -> memref<36864x768xf32, #tpu.memory_space<hbm>>
    %dma_wait3A_39 = tpu.memref_slice %arg9[%dma_wait3A_32] : memref<3x!tpu.dma_semaphore, #tpu.memory_space<semaphore_mem>> -> memref<1x!tpu.dma_semaphore, #tpu.memory_space<semaphore_mem>>
    %dma_wait3A_40 = tpu.memref_squeeze %dma_wait3A_39 : memref<1x!tpu.dma_semaphore, #tpu.memory_space<semaphore_mem>> -> memref<!tpu.dma_semaphore, #tpu.memory_space<semaphore_mem>>
    tpu.wait_indirect_dma semaphore(%dma_wait3A_40 : memref<!tpu.dma_semaphore, #tpu.memory_space<semaphore_mem>>) src(%dma_wait3A_38 : memref<36864x768xf32, #tpu.memory_space<hbm>>) dst(%arg6 : memref<48x768xf32, #tpu.memory_space<vmem>>)
    %add3A_41 = arith.constant 0 : i32
    %add3A_42 = arith.addi %mul3A_2, %add3A_41 : i32
    %dma_start3A_43 = arith.constant 0 : i32
    %dma_start3A_44 = arith.constant 0 : i32
    %dma_start3A_45 = tpu.memref_slice %arg4[%add3A_42, %dma_start3A_44] : memref<9216x768xf32, #tpu.memory_space<hbm>> -> memref<48x768xf32, #tpu.memory_space<hbm>>
    %dma_start3A_46 = tpu.memref_slice %arg10[%dma_start3A_43] : memref<3x!tpu.dma_semaphore, #tpu.memory_space<semaphore_mem>> -> memref<1x!tpu.dma_semaphore, #tpu.memory_space<semaphore_mem>>
    %dma_start3A_47 = tpu.memref_squeeze %dma_start3A_46 : memref<1x!tpu.dma_semaphore, #tpu.memory_space<semaphore_mem>> -> memref<!tpu.dma_semaphore, #tpu.memory_space<semaphore_mem>>
    %dma_start3A_48 = arith.constant 0 : i32
    %dma_start3A_49 = tpu.memref_slice %arg4[%add3A_42, %dma_start3A_48] : memref<9216x768xf32, #tpu.memory_space<hbm>> -> memref<48x768xf32, #tpu.memory_space<hbm>>
    tpu.enqueue_dma source(%arg6 : memref<48x768xf32, #tpu.memory_space<vmem>>) target(%dma_start3A_49 : memref<48x768xf32, #tpu.memory_space<hbm>>) target_semaphore(%dma_start3A_47 : memref<!tpu.dma_semaphore, #tpu.memory_space<semaphore_mem>>)
    %dma_wait3A_50 = arith.constant 0 : i32
    %dma_wait3A_51 = arith.constant 0 : i32
    %dma_wait3A_52 = tpu.memref_slice %arg4[%add3A_42, %dma_wait3A_51] : memref<9216x768xf32, #tpu.memory_space<hbm>> -> memref<48x768xf32, #tpu.memory_space<hbm>>
    %dma_wait3A_53 = tpu.memref_slice %arg10[%dma_wait3A_50] : memref<3x!tpu.dma_semaphore, #tpu.memory_space<semaphore_mem>> -> memref<1x!tpu.dma_semaphore, #tpu.memory_space<semaphore_mem>>
    %dma_wait3A_54 = tpu.memref_squeeze %dma_wait3A_53 : memref<1x!tpu.dma_semaphore, #tpu.memory_space<semaphore_mem>> -> memref<!tpu.dma_semaphore, #tpu.memory_space<semaphore_mem>>
    %dma_wait3A_55 = arith.constant 0 : i32
    %dma_wait3A_56 = tpu.memref_slice %arg4[%add3A_42, %dma_wait3A_55] : memref<9216x768xf32, #tpu.memory_space<hbm>> -> memref<48x768xf32, #tpu.memory_space<hbm>>
    tpu.wait_dma2 semaphore(%dma_wait3A_54 : memref<!tpu.dma_semaphore, #tpu.memory_space<semaphore_mem>>) src(%arg6 : memref<48x768xf32, #tpu.memory_space<vmem>>) dst(%dma_wait3A_56 : memref<48x768xf32, #tpu.memory_space<hbm>>)
    %dma_start3A_57 = arith.constant 3 : i32
    %dma_start3A_58 = arith.constant 0 : i32
    %dma_start3A_59 = arith.constant 0 : i32
    %dma_start3A_60 = tpu.memref_slice %arg5[%dma_start3A_57, %dma_start3A_59] : memref<6x48xi32, #tpu.memory_space<vmem>> -> memref<1x48xi32, #tpu.memory_space<vmem>>
    %dma_start3A_61 = tpu.memref_squeeze %dma_start3A_60 : memref<1x48xi32, #tpu.memory_space<vmem>> -> memref<48xi32, #tpu.memory_space<vmem>>
    %dma_start3A_62 = arith.constant 0 : i32
    %dma_start3A_63 = arith.constant 0 : i32
    %dma_start3A_64 = tpu.memref_slice %arg2[%dma_start3A_62, %dma_start3A_63] : memref<36864x768xf32, #tpu.memory_space<hbm>> -> memref<36864x768xf32, #tpu.memory_space<hbm>>
    %dma_start3A_65 = tpu.memref_slice %arg9[%dma_start3A_58] : memref<3x!tpu.dma_semaphore, #tpu.memory_space<semaphore_mem>> -> memref<1x!tpu.dma_semaphore, #tpu.memory_space<semaphore_mem>>
    %dma_start3A_66 = tpu.memref_squeeze %dma_start3A_65 : memref<1x!tpu.dma_semaphore, #tpu.memory_space<semaphore_mem>> -> memref<!tpu.dma_semaphore, #tpu.memory_space<semaphore_mem>>
    tpu.enqueue_indirect_dma source(%dma_start3A_64 : memref<36864x768xf32, #tpu.memory_space<hbm>>) target(%arg6 : memref<48x768xf32, #tpu.memory_space<vmem>>) offsets(%dma_start3A_61 : memref<48xi32, #tpu.memory_space<vmem>>) semaphore(%dma_start3A_66 : memref<!tpu.dma_semaphore, #tpu.memory_space<semaphore_mem>>)
    %dma_wait3A_67 = arith.constant 1 : i32
    %dma_wait3A_68 = arith.constant 1 : i32
    %dma_wait3A_69 = arith.constant 0 : i32
    %dma_wait3A_70 = tpu.memref_slice %arg5[%dma_wait3A_67, %dma_wait3A_69] : memref<6x48xi32, #tpu.memory_space<vmem>> -> memref<1x48xi32, #tpu.memory_space<vmem>>
    %dma_wait3A_71 = tpu.memref_squeeze %dma_wait3A_70 : memref<1x48xi32, #tpu.memory_space<vmem>> -> memref<48xi32, #tpu.memory_space<vmem>>
    %dma_wait3A_72 = arith.constant 0 : i32
    %dma_wait3A_73 = arith.constant 0 : i32
    %dma_wait3A_74 = tpu.memref_slice %arg2[%dma_wait3A_72, %dma_wait3A_73] : memref<36864x768xf32, #tpu.memory_space<hbm>> -> memref<36864x768xf32, #tpu.memory_space<hbm>>
    %dma_wait3A_75 = tpu.memref_slice %arg9[%dma_wait3A_68] : memref<3x!tpu.dma_semaphore, #tpu.memory_space<semaphore_mem>> -> memref<1x!tpu.dma_semaphore, #tpu.memory_space<semaphore_mem>>
    %dma_wait3A_76 = tpu.memref_squeeze %dma_wait3A_75 : memref<1x!tpu.dma_semaphore, #tpu.memory_space<semaphore_mem>> -> memref<!tpu.dma_semaphore, #tpu.memory_space<semaphore_mem>>
    tpu.wait_indirect_dma semaphore(%dma_wait3A_76 : memref<!tpu.dma_semaphore, #tpu.memory_space<semaphore_mem>>) src(%dma_wait3A_74 : memref<36864x768xf32, #tpu.memory_space<hbm>>) dst(%arg7 : memref<48x768xf32, #tpu.memory_space<vmem>>)
    %add3A_77 = arith.constant 48 : i32
    %add3A_78 = arith.addi %mul3A_2, %add3A_77 : i32
    %dma_start3A_79 = arith.constant 1 : i32
    %dma_start3A_80 = arith.constant 0 : i32
    %dma_start3A_81 = tpu.memref_slice %arg4[%add3A_78, %dma_start3A_80] : memref<9216x768xf32, #tpu.memory_space<hbm>> -> memref<48x768xf32, #tpu.memory_space<hbm>>
    %dma_start3A_82 = tpu.memref_slice %arg10[%dma_start3A_79] : memref<3x!tpu.dma_semaphore, #tpu.memory_space<semaphore_mem>> -> memref<1x!tpu.dma_semaphore, #tpu.memory_space<semaphore_mem>>
    %dma_start3A_83 = tpu.memref_squeeze %dma_start3A_82 : memref<1x!tpu.dma_semaphore, #tpu.memory_space<semaphore_mem>> -> memref<!tpu.dma_semaphore, #tpu.memory_space<semaphore_mem>>
    %dma_start3A_84 = arith.constant 0 : i32
    %dma_start3A_85 = tpu.memref_slice %arg4[%add3A_78, %dma_start3A_84] : memref<9216x768xf32, #tpu.memory_space<hbm>> -> memref<48x768xf32, #tpu.memory_space<hbm>>
    tpu.enqueue_dma source(%arg7 : memref<48x768xf32, #tpu.memory_space<vmem>>) target(%dma_start3A_85 : memref<48x768xf32, #tpu.memory_space<hbm>>) target_semaphore(%dma_start3A_83 : memref<!tpu.dma_semaphore, #tpu.memory_space<semaphore_mem>>)
    %dma_wait3A_86 = arith.constant 1 : i32
    %dma_wait3A_87 = arith.constant 0 : i32
    %dma_wait3A_88 = tpu.memref_slice %arg4[%add3A_78, %dma_wait3A_87] : memref<9216x768xf32, #tpu.memory_space<hbm>> -> memref<48x768xf32, #tpu.memory_space<hbm>>
    %dma_wait3A_89 = tpu.memref_slice %arg10[%dma_wait3A_86] : memref<3x!tpu.dma_semaphore, #tpu.memory_space<semaphore_mem>> -> memref<1x!tpu.dma_semaphore, #tpu.memory_space<semaphore_mem>>
    %dma_wait3A_90 = tpu.memref_squeeze %dma_wait3A_89 : memref<1x!tpu.dma_semaphore, #tpu.memory_space<semaphore_mem>> -> memref<!tpu.dma_semaphore, #tpu.memory_space<semaphore_mem>>
    %dma_wait3A_91 = arith.constant 0 : i32
    %dma_wait3A_92 = tpu.memref_slice %arg4[%add3A_78, %dma_wait3A_91] : memref<9216x768xf32, #tpu.memory_space<hbm>> -> memref<48x768xf32, #tpu.memory_space<hbm>>
    tpu.wait_dma2 semaphore(%dma_wait3A_90 : memref<!tpu.dma_semaphore, #tpu.memory_space<semaphore_mem>>) src(%arg7 : memref<48x768xf32, #tpu.memory_space<vmem>>) dst(%dma_wait3A_92 : memref<48x768xf32, #tpu.memory_space<hbm>>)
    %dma_start3A_93 = arith.constant 4 : i32
    %dma_start3A_94 = arith.constant 1 : i32
    %dma_start3A_95 = arith.constant 0 : i32
    %dma_start3A_96 = tpu.memref_slice %arg5[%dma_start3A_93, %dma_start3A_95] : memref<6x48xi32, #tpu.memory_space<vmem>> -> memref<1x48xi32, #tpu.memory_space<vmem>>
    %dma_start3A_97 = tpu.memref_squeeze %dma_start3A_96 : memref<1x48xi32, #tpu.memory_space<vmem>> -> memref<48xi32, #tpu.memory_space<vmem>>
    %dma_start3A_98 = arith.constant 0 : i32
    %dma_start3A_99 = arith.constant 0 : i32
    %dma_start3A_100 = tpu.memref_slice %arg2[%dma_start3A_98, %dma_start3A_99] : memref<36864x768xf32, #tpu.memory_space<hbm>> -> memref<36864x768xf32, #tpu.memory_space<hbm>>
    %dma_start3A_101 = tpu.memref_slice %arg9[%dma_start3A_94] : memref<3x!tpu.dma_semaphore, #tpu.memory_space<semaphore_mem>> -> memref<1x!tpu.dma_semaphore, #tpu.memory_space<semaphore_mem>>
    %dma_start3A_102 = tpu.memref_squeeze %dma_start3A_101 : memref<1x!tpu.dma_semaphore, #tpu.memory_space<semaphore_mem>> -> memref<!tpu.dma_semaphore, #tpu.memory_space<semaphore_mem>>
    tpu.enqueue_indirect_dma source(%dma_start3A_100 : memref<36864x768xf32, #tpu.memory_space<hbm>>) target(%arg7 : memref<48x768xf32, #tpu.memory_space<vmem>>) offsets(%dma_start3A_97 : memref<48xi32, #tpu.memory_space<vmem>>) semaphore(%dma_start3A_102 : memref<!tpu.dma_semaphore, #tpu.memory_space<semaphore_mem>>)
    %dma_wait3A_103 = arith.constant 2 : i32
    %dma_wait3A_104 = arith.constant 2 : i32
    %dma_wait3A_105 = arith.constant 0 : i32
    %dma_wait3A_106 = tpu.memref_slice %arg5[%dma_wait3A_103, %dma_wait3A_105] : memref<6x48xi32, #tpu.memory_space<vmem>> -> memref<1x48xi32, #tpu.memory_space<vmem>>
    %dma_wait3A_107 = tpu.memref_squeeze %dma_wait3A_106 : memref<1x48xi32, #tpu.memory_space<vmem>> -> memref<48xi32, #tpu.memory_space<vmem>>
    %dma_wait3A_108 = arith.constant 0 : i32
    %dma_wait3A_109 = arith.constant 0 : i32
    %dma_wait3A_110 = tpu.memref_slice %arg2[%dma_wait3A_108, %dma_wait3A_109] : memref<36864x768xf32, #tpu.memory_space<hbm>> -> memref<36864x768xf32, #tpu.memory_space<hbm>>
    %dma_wait3A_111 = tpu.memref_slice %arg9[%dma_wait3A_104] : memref<3x!tpu.dma_semaphore, #tpu.memory_space<semaphore_mem>> -> memref<1x!tpu.dma_semaphore, #tpu.memory_space<semaphore_mem>>
    %dma_wait3A_112 = tpu.memref_squeeze %dma_wait3A_111 : memref<1x!tpu.dma_semaphore, #tpu.memory_space<semaphore_mem>> -> memref<!tpu.dma_semaphore, #tpu.memory_space<semaphore_mem>>
    tpu.wait_indirect_dma semaphore(%dma_wait3A_112 : memref<!tpu.dma_semaphore, #tpu.memory_space<semaphore_mem>>) src(%dma_wait3A_110 : memref<36864x768xf32, #tpu.memory_space<hbm>>) dst(%arg8 : memref<48x768xf32, #tpu.memory_space<vmem>>)
    %add3A_113 = arith.constant 96 : i32
    %add3A_114 = arith.addi %mul3A_2, %add3A_113 : i32
    %dma_start3A_115 = arith.constant 2 : i32
    %dma_start3A_116 = arith.constant 0 : i32
    %dma_start3A_117 = tpu.memref_slice %arg4[%add3A_114, %dma_start3A_116] : memref<9216x768xf32, #tpu.memory_space<hbm>> -> memref<48x768xf32, #tpu.memory_space<hbm>>
    %dma_start3A_118 = tpu.memref_slice %arg10[%dma_start3A_115] : memref<3x!tpu.dma_semaphore, #tpu.memory_space<semaphore_mem>> -> memref<1x!tpu.dma_semaphore, #tpu.memory_space<semaphore_mem>>
    %dma_start3A_119 = tpu.memref_squeeze %dma_start3A_118 : memref<1x!tpu.dma_semaphore, #tpu.memory_space<semaphore_mem>> -> memref<!tpu.dma_semaphore, #tpu.memory_space<semaphore_mem>>
    %dma_start3A_120 = arith.constant 0 : i32
    %dma_start3A_121 = tpu.memref_slice %arg4[%add3A_114, %dma_start3A_120] : memref<9216x768xf32, #tpu.memory_space<hbm>> -> memref<48x768xf32, #tpu.memory_space<hbm>>
    tpu.enqueue_dma source(%arg8 : memref<48x768xf32, #tpu.memory_space<vmem>>) target(%dma_start3A_121 : memref<48x768xf32, #tpu.memory_space<hbm>>) target_semaphore(%dma_start3A_119 : memref<!tpu.dma_semaphore, #tpu.memory_space<semaphore_mem>>)
    %dma_wait3A_122 = arith.constant 2 : i32
    %dma_wait3A_123 = arith.constant 0 : i32
    %dma_wait3A_124 = tpu.memref_slice %arg4[%add3A_114, %dma_wait3A_123] : memref<9216x768xf32, #tpu.memory_space<hbm>> -> memref<48x768xf32, #tpu.memory_space<hbm>>
    %dma_wait3A_125 = tpu.memref_slice %arg10[%dma_wait3A_122] : memref<3x!tpu.dma_semaphore, #tpu.memory_space<semaphore_mem>> -> memref<1x!tpu.dma_semaphore, #tpu.memory_space<semaphore_mem>>
    %dma_wait3A_126 = tpu.memref_squeeze %dma_wait3A_125 : memref<1x!tpu.dma_semaphore, #tpu.memory_space<semaphore_mem>> -> memref<!tpu.dma_semaphore, #tpu.memory_space<semaphore_mem>>
    %dma_wait3A_127 = arith.constant 0 : i32
    %dma_wait3A_128 = tpu.memref_slice %arg4[%add3A_114, %dma_wait3A_127] : memref<9216x768xf32, #tpu.memory_space<hbm>> -> memref<48x768xf32, #tpu.memory_space<hbm>>
    tpu.wait_dma2 semaphore(%dma_wait3A_126 : memref<!tpu.dma_semaphore, #tpu.memory_space<semaphore_mem>>) src(%arg8 : memref<48x768xf32, #tpu.memory_space<vmem>>) dst(%dma_wait3A_128 : memref<48x768xf32, #tpu.memory_space<hbm>>)
    %dma_start3A_129 = arith.constant 5 : i32
    %dma_start3A_130 = arith.constant 2 : i32
    %dma_start3A_131 = arith.constant 0 : i32
    %dma_start3A_132 = tpu.memref_slice %arg5[%dma_start3A_129, %dma_start3A_131] : memref<6x48xi32, #tpu.memory_space<vmem>> -> memref<1x48xi32, #tpu.memory_space<vmem>>
    %dma_start3A_133 = tpu.memref_squeeze %dma_start3A_132 : memref<1x48xi32, #tpu.memory_space<vmem>> -> memref<48xi32, #tpu.memory_space<vmem>>
    %dma_start3A_134 = arith.constant 0 : i32
    %dma_start3A_135 = arith.constant 0 : i32
    %dma_start3A_136 = tpu.memref_slice %arg2[%dma_start3A_134, %dma_start3A_135] : memref<36864x768xf32, #tpu.memory_space<hbm>> -> memref<36864x768xf32, #tpu.memory_space<hbm>>
    %dma_start3A_137 = tpu.memref_slice %arg9[%dma_start3A_130] : memref<3x!tpu.dma_semaphore, #tpu.memory_space<semaphore_mem>> -> memref<1x!tpu.dma_semaphore, #tpu.memory_space<semaphore_mem>>
    %dma_start3A_138 = tpu.memref_squeeze %dma_start3A_137 : memref<1x!tpu.dma_semaphore, #tpu.memory_space<semaphore_mem>> -> memref<!tpu.dma_semaphore, #tpu.memory_space<semaphore_mem>>
    tpu.enqueue_indirect_dma source(%dma_start3A_136 : memref<36864x768xf32, #tpu.memory_space<hbm>>) target(%arg8 : memref<48x768xf32, #tpu.memory_space<vmem>>) offsets(%dma_start3A_133 : memref<48xi32, #tpu.memory_space<vmem>>) semaphore(%dma_start3A_138 : memref<!tpu.dma_semaphore, #tpu.memory_space<semaphore_mem>>)
    %dma_wait3A_139 = arith.constant 3 : i32
    %dma_wait3A_140 = arith.constant 0 : i32
    %dma_wait3A_141 = arith.constant 0 : i32
    %dma_wait3A_142 = tpu.memref_slice %arg5[%dma_wait3A_139, %dma_wait3A_141] : memref<6x48xi32, #tpu.memory_space<vmem>> -> memref<1x48xi32, #tpu.memory_space<vmem>>
    %dma_wait3A_143 = tpu.memref_squeeze %dma_wait3A_142 : memref<1x48xi32, #tpu.memory_space<vmem>> -> memref<48xi32, #tpu.memory_space<vmem>>
    %dma_wait3A_144 = arith.constant 0 : i32
    %dma_wait3A_145 = arith.constant 0 : i32
    %dma_wait3A_146 = tpu.memref_slice %arg2[%dma_wait3A_144, %dma_wait3A_145] : memref<36864x768xf32, #tpu.memory_space<hbm>> -> memref<36864x768xf32, #tpu.memory_space<hbm>>
    %dma_wait3A_147 = tpu.memref_slice %arg9[%dma_wait3A_140] : memref<3x!tpu.dma_semaphore, #tpu.memory_space<semaphore_mem>> -> memref<1x!tpu.dma_semaphore, #tpu.memory_space<semaphore_mem>>
    %dma_wait3A_148 = tpu.memref_squeeze %dma_wait3A_147 : memref<1x!tpu.dma_semaphore, #tpu.memory_space<semaphore_mem>> -> memref<!tpu.dma_semaphore, #tpu.memory_space<semaphore_mem>>
    tpu.wait_indirect_dma semaphore(%dma_wait3A_148 : memref<!tpu.dma_semaphore, #tpu.memory_space<semaphore_mem>>) src(%dma_wait3A_146 : memref<36864x768xf32, #tpu.memory_space<hbm>>) dst(%arg6 : memref<48x768xf32, #tpu.memory_space<vmem>>)
    %add3A_149 = arith.constant 144 : i32
    %add3A_150 = arith.addi %mul3A_2, %add3A_149 : i32
    %dma_start3A_151 = arith.constant 0 : i32
    %dma_start3A_152 = arith.constant 0 : i32
    %dma_start3A_153 = tpu.memref_slice %arg4[%add3A_150, %dma_start3A_152] : memref<9216x768xf32, #tpu.memory_space<hbm>> -> memref<48x768xf32, #tpu.memory_space<hbm>>
    %dma_start3A_154 = tpu.memref_slice %arg10[%dma_start3A_151] : memref<3x!tpu.dma_semaphore, #tpu.memory_space<semaphore_mem>> -> memref<1x!tpu.dma_semaphore, #tpu.memory_space<semaphore_mem>>
    %dma_start3A_155 = tpu.memref_squeeze %dma_start3A_154 : memref<1x!tpu.dma_semaphore, #tpu.memory_space<semaphore_mem>> -> memref<!tpu.dma_semaphore, #tpu.memory_space<semaphore_mem>>
    %dma_start3A_156 = arith.constant 0 : i32
    %dma_start3A_157 = tpu.memref_slice %arg4[%add3A_150, %dma_start3A_156] : memref<9216x768xf32, #tpu.memory_space<hbm>> -> memref<48x768xf32, #tpu.memory_space<hbm>>
    tpu.enqueue_dma source(%arg6 : memref<48x768xf32, #tpu.memory_space<vmem>>) target(%dma_start3A_157 : memref<48x768xf32, #tpu.memory_space<hbm>>) target_semaphore(%dma_start3A_155 : memref<!tpu.dma_semaphore, #tpu.memory_space<semaphore_mem>>)
    %dma_wait3A_158 = arith.constant 4 : i32
    %dma_wait3A_159 = arith.constant 1 : i32
    %dma_wait3A_160 = arith.constant 0 : i32
    %dma_wait3A_161 = tpu.memref_slice %arg5[%dma_wait3A_158, %dma_wait3A_160] : memref<6x48xi32, #tpu.memory_space<vmem>> -> memref<1x48xi32, #tpu.memory_space<vmem>>
    %dma_wait3A_162 = tpu.memref_squeeze %dma_wait3A_161 : memref<1x48xi32, #tpu.memory_space<vmem>> -> memref<48xi32, #tpu.memory_space<vmem>>
    %dma_wait3A_163 = arith.constant 0 : i32
    %dma_wait3A_164 = arith.constant 0 : i32
    %dma_wait3A_165 = tpu.memref_slice %arg2[%dma_wait3A_163, %dma_wait3A_164] : memref<36864x768xf32, #tpu.memory_space<hbm>> -> memref<36864x768xf32, #tpu.memory_space<hbm>>
    %dma_wait3A_166 = tpu.memref_slice %arg9[%dma_wait3A_159] : memref<3x!tpu.dma_semaphore, #tpu.memory_space<semaphore_mem>> -> memref<1x!tpu.dma_semaphore, #tpu.memory_space<semaphore_mem>>
    %dma_wait3A_167 = tpu.memref_squeeze %dma_wait3A_166 : memref<1x!tpu.dma_semaphore, #tpu.memory_space<semaphore_mem>> -> memref<!tpu.dma_semaphore, #tpu.memory_space<semaphore_mem>>
    tpu.wait_indirect_dma semaphore(%dma_wait3A_167 : memref<!tpu.dma_semaphore, #tpu.memory_space<semaphore_mem>>) src(%dma_wait3A_165 : memref<36864x768xf32, #tpu.memory_space<hbm>>) dst(%arg7 : memref<48x768xf32, #tpu.memory_space<vmem>>)
    %add3A_168 = arith.constant 192 : i32
    %add3A_169 = arith.addi %mul3A_2, %add3A_168 : i32
    %dma_start3A_170 = arith.constant 1 : i32
    %dma_start3A_171 = arith.constant 0 : i32
    %dma_start3A_172 = tpu.memref_slice %arg4[%add3A_169, %dma_start3A_171] : memref<9216x768xf32, #tpu.memory_space<hbm>> -> memref<48x768xf32, #tpu.memory_space<hbm>>
    %dma_start3A_173 = tpu.memref_slice %arg10[%dma_start3A_170] : memref<3x!tpu.dma_semaphore, #tpu.memory_space<semaphore_mem>> -> memref<1x!tpu.dma_semaphore, #tpu.memory_space<semaphore_mem>>
    %dma_start3A_174 = tpu.memref_squeeze %dma_start3A_173 : memref<1x!tpu.dma_semaphore, #tpu.memory_space<semaphore_mem>> -> memref<!tpu.dma_semaphore, #tpu.memory_space<semaphore_mem>>
    %dma_start3A_175 = arith.constant 0 : i32
    %dma_start3A_176 = tpu.memref_slice %arg4[%add3A_169, %dma_start3A_175] : memref<9216x768xf32, #tpu.memory_space<hbm>> -> memref<48x768xf32, #tpu.memory_space<hbm>>
    tpu.enqueue_dma source(%arg7 : memref<48x768xf32, #tpu.memory_space<vmem>>) target(%dma_start3A_176 : memref<48x768xf32, #tpu.memory_space<hbm>>) target_semaphore(%dma_start3A_174 : memref<!tpu.dma_semaphore, #tpu.memory_space<semaphore_mem>>)
    %dma_wait3A_177 = arith.constant 5 : i32
    %dma_wait3A_178 = arith.constant 2 : i32
    %dma_wait3A_179 = arith.constant 0 : i32
    %dma_wait3A_180 = tpu.memref_slice %arg5[%dma_wait3A_177, %dma_wait3A_179] : memref<6x48xi32, #tpu.memory_space<vmem>> -> memref<1x48xi32, #tpu.memory_space<vmem>>
    %dma_wait3A_181 = tpu.memref_squeeze %dma_wait3A_180 : memref<1x48xi32, #tpu.memory_space<vmem>> -> memref<48xi32, #tpu.memory_space<vmem>>
    %dma_wait3A_182 = arith.constant 0 : i32
    %dma_wait3A_183 = arith.constant 0 : i32
    %dma_wait3A_184 = tpu.memref_slice %arg2[%dma_wait3A_182, %dma_wait3A_183] : memref<36864x768xf32, #tpu.memory_space<hbm>> -> memref<36864x768xf32, #tpu.memory_space<hbm>>
    %dma_wait3A_185 = tpu.memref_slice %arg9[%dma_wait3A_178] : memref<3x!tpu.dma_semaphore, #tpu.memory_space<semaphore_mem>> -> memref<1x!tpu.dma_semaphore, #tpu.memory_space<semaphore_mem>>
    %dma_wait3A_186 = tpu.memref_squeeze %dma_wait3A_185 : memref<1x!tpu.dma_semaphore, #tpu.memory_space<semaphore_mem>> -> memref<!tpu.dma_semaphore, #tpu.memory_space<semaphore_mem>>
    tpu.wait_indirect_dma semaphore(%dma_wait3A_186 : memref<!tpu.dma_semaphore, #tpu.memory_space<semaphore_mem>>) src(%dma_wait3A_184 : memref<36864x768xf32, #tpu.memory_space<hbm>>) dst(%arg8 : memref<48x768xf32, #tpu.memory_space<vmem>>)
    %add3A_187 = arith.constant 240 : i32
    %add3A_188 = arith.addi %mul3A_2, %add3A_187 : i32
    %dma_start3A_189 = arith.constant 2 : i32
    %dma_start3A_190 = arith.constant 0 : i32
    %dma_start3A_191 = tpu.memref_slice %arg4[%add3A_188, %dma_start3A_190] : memref<9216x768xf32, #tpu.memory_space<hbm>> -> memref<48x768xf32, #tpu.memory_space<hbm>>
    %dma_start3A_192 = tpu.memref_slice %arg10[%dma_start3A_189] : memref<3x!tpu.dma_semaphore, #tpu.memory_space<semaphore_mem>> -> memref<1x!tpu.dma_semaphore, #tpu.memory_space<semaphore_mem>>
    %dma_start3A_193 = tpu.memref_squeeze %dma_start3A_192 : memref<1x!tpu.dma_semaphore, #tpu.memory_space<semaphore_mem>> -> memref<!tpu.dma_semaphore, #tpu.memory_space<semaphore_mem>>
    %dma_start3A_194 = arith.constant 0 : i32
    %dma_start3A_195 = tpu.memref_slice %arg4[%add3A_188, %dma_start3A_194] : memref<9216x768xf32, #tpu.memory_space<hbm>> -> memref<48x768xf32, #tpu.memory_space<hbm>>
    tpu.enqueue_dma source(%arg8 : memref<48x768xf32, #tpu.memory_space<vmem>>) target(%dma_start3A_195 : memref<48x768xf32, #tpu.memory_space<hbm>>) target_semaphore(%dma_start3A_193 : memref<!tpu.dma_semaphore, #tpu.memory_space<semaphore_mem>>)
    %dma_wait3A_196 = arith.constant 0 : i32
    %dma_wait3A_197 = arith.constant 0 : i32
    %dma_wait3A_198 = tpu.memref_slice %arg4[%add3A_150, %dma_wait3A_197] : memref<9216x768xf32, #tpu.memory_space<hbm>> -> memref<48x768xf32, #tpu.memory_space<hbm>>
    %dma_wait3A_199 = tpu.memref_slice %arg10[%dma_wait3A_196] : memref<3x!tpu.dma_semaphore, #tpu.memory_space<semaphore_mem>> -> memref<1x!tpu.dma_semaphore, #tpu.memory_space<semaphore_mem>>
    %dma_wait3A_200 = tpu.memref_squeeze %dma_wait3A_199 : memref<1x!tpu.dma_semaphore, #tpu.memory_space<semaphore_mem>> -> memref<!tpu.dma_semaphore, #tpu.memory_space<semaphore_mem>>
    %dma_wait3A_201 = arith.constant 0 : i32
    %dma_wait3A_202 = tpu.memref_slice %arg4[%add3A_150, %dma_wait3A_201] : memref<9216x768xf32, #tpu.memory_space<hbm>> -> memref<48x768xf32, #tpu.memory_space<hbm>>
    tpu.wait_dma2 semaphore(%dma_wait3A_200 : memref<!tpu.dma_semaphore, #tpu.memory_space<semaphore_mem>>) src(%arg6 : memref<48x768xf32, #tpu.memory_space<vmem>>) dst(%dma_wait3A_202 : memref<48x768xf32, #tpu.memory_space<hbm>>)
    %dma_wait3A_203 = arith.constant 1 : i32
    %dma_wait3A_204 = arith.constant 0 : i32
    %dma_wait3A_205 = tpu.memref_slice %arg4[%add3A_169, %dma_wait3A_204] : memref<9216x768xf32, #tpu.memory_space<hbm>> -> memref<48x768xf32, #tpu.memory_space<hbm>>
    %dma_wait3A_206 = tpu.memref_slice %arg10[%dma_wait3A_203] : memref<3x!tpu.dma_semaphore, #tpu.memory_space<semaphore_mem>> -> memref<1x!tpu.dma_semaphore, #tpu.memory_space<semaphore_mem>>
    %dma_wait3A_207 = tpu.memref_squeeze %dma_wait3A_206 : memref<1x!tpu.dma_semaphore, #tpu.memory_space<semaphore_mem>> -> memref<!tpu.dma_semaphore, #tpu.memory_space<semaphore_mem>>
    %dma_wait3A_208 = arith.constant 0 : i32
    %dma_wait3A_209 = tpu.memref_slice %arg4[%add3A_169, %dma_wait3A_208] : memref<9216x768xf32, #tpu.memory_space<hbm>> -> memref<48x768xf32, #tpu.memory_space<hbm>>
    tpu.wait_dma2 semaphore(%dma_wait3A_207 : memref<!tpu.dma_semaphore, #tpu.memory_space<semaphore_mem>>) src(%arg7 : memref<48x768xf32, #tpu.memory_space<vmem>>) dst(%dma_wait3A_209 : memref<48x768xf32, #tpu.memory_space<hbm>>)
    %dma_wait3A_210 = arith.constant 2 : i32
    %dma_wait3A_211 = arith.constant 0 : i32
    %dma_wait3A_212 = tpu.memref_slice %arg4[%add3A_188, %dma_wait3A_211] : memref<9216x768xf32, #tpu.memory_space<hbm>> -> memref<48x768xf32, #tpu.memory_space<hbm>>
    %dma_wait3A_213 = tpu.memref_slice %arg10[%dma_wait3A_210] : memref<3x!tpu.dma_semaphore, #tpu.memory_space<semaphore_mem>> -> memref<1x!tpu.dma_semaphore, #tpu.memory_space<semaphore_mem>>
    %dma_wait3A_214 = tpu.memref_squeeze %dma_wait3A_213 : memref<1x!tpu.dma_semaphore, #tpu.memory_space<semaphore_mem>> -> memref<!tpu.dma_semaphore, #tpu.memory_space<semaphore_mem>>
    %dma_wait3A_215 = arith.constant 0 : i32
    %dma_wait3A_216 = tpu.memref_slice %arg4[%add3A_188, %dma_wait3A_215] : memref<9216x768xf32, #tpu.memory_space<hbm>> -> memref<48x768xf32, #tpu.memory_space<hbm>>
    tpu.wait_dma2 semaphore(%dma_wait3A_214 : memref<!tpu.dma_semaphore, #tpu.memory_space<semaphore_mem>>) src(%arg8 : memref<48x768xf32, #tpu.memory_space<vmem>>) dst(%dma_wait3A_216 : memref<48x768xf32, #tpu.memory_space<hbm>>)
    return
  }
}

</mosaic_0001>

<sc_bundles>
// kernel: kernel.3.cloned.1.call-start
scs
__scs_entry_jumppad:
0x0: {  	(pc) =	sbr.rel $0x88, $3  }
0x1: {  	(tag) =	ssettag $0x0;
	lr =	simm.s32 $0x1  }
0x2: {  	[smem:$0x3FA0] =	sst lr;
	_ =	strace $0xD0000000  }
0x3: {  	_ = 	snop  }
0x4: {  	_ = 	snop  }
0x5: {  	_ = 	snop  }
0x6: {  	_ = 	snop  }
0x7: {  	_ = 	snop  }
__scs_overlays_trampoline_lowered:
0x8: {  	[smem:$0x3FAF] =	sst s0  }
0x9: {  	[smem:$0x3FB0] =	sst s1  }
0xa: {  	[smem:$0x3FB1] =	sst s2  }
0xb: {  	[smem:$0x3FB2] =	sst s3  }
0xc: {  	[smem:$0x3FB3] =	sst s4  }
0xd: {  	[smem:$0x3FB4] =	sst s5  }
0xe: {  	[smem:$0x3FB5] =	sst s6  }
0xf: {  	[smem:$0x3FB6] =	sst s7  }
0x10: {  	[smem:$0x3FB7] =	sst s8  }
0x11: {  	[smem:$0x3FB8] =	sst s9;
	s0 =	simm.s32 @!p0 $0x0  }
0x12: {  	s1 =	sld [smem:$0x3F9E];
	s0 =	simm.s32 @p0 $0x1  }
0x13: {  	[smem:$0x3FB9] =	sst s0;
	s0 =	simm.s32 @!p1 $0x0  }
0x14: {  	s2 =	sld [smem:$0x3F9D];
	s0 =	simm.s32 @p1 $0x1  }
0x15: {  	[smem:$0x3FBA] =	sst s0;
	s0 =	simm.s32 @!p2 $0x0  }
0x16: {  	s3 =	sld [smem:$0x3FDB];
	s0 =	simm.s32 @p2 $0x1  }
0x17: {  	s4 =	simm.s32 $0x1BF5;
	[smem:$0x3FBC] =	sst s0  }
0x18: {  	s0 =	sld [smem:$0x3F9F];
	_ =	swait.ge [sflag:s4], $0x0  }
0x19: {  	s7 =	sld [smem:$0x3FA0]  }
0x1a: {  	s8 =	sadd.s32 $0xFFFFE003, lr  }
0x1b: {  	s9 =	sadd.s32 $0xFFFFFEF7, lr;
	s5 =	simm.s32 $0xFFFFFFFF;
	p2 =	slt.u32 s8, $0xFFFFF086  }
0x1c: {  	p1 =	slt.u32 s9, $0xF7A;
	s5 =	simm.s32 @!p2 $0x0  }
0x1d: {  	s5 =	simm.s32 @p1 $0x1;
	p0 =	seq.s32 s7, s2  }
0x1e: {  	s7 =	smul.u32 @!p0 $0xF7A, s2;
	p2 =	seq.s32 @!p0 s5, $0x0  }
0x1f: {  	s9 =	smul.u32 $0xF7A, s1;
	s8 =	simm.s32 @!p0 $0x1BF5;
	p2 =	por !p2, p0  }
0x20: {  	[sflag:s8] =	ssyncset.s32 @!p0 $0xFFFFF086;
	s6 =	sadd.s32 @!p0 s3, s7;
	s7 =	simm.s32 @!p0 $0x108  }
0x21: {  	s3 =	sadd.s32 s3, s9;
	s6 =	sadd.s32 @!p0 $0x88, s6;
	s7 =	simm.s32 @p2 $0x1082  }
0x22: {  	[simem:s7], [sflag:s8] =	dma.local @!p0 [hbm:s6], $0xF7A  }
0x23: {  	s9 =	sor.u32 $0xD0000000, s2;
	s6 =	simm.s32 $0x108;
	_ =	swait.ge @!p0 [sflag:s8], $0x0  }
0x24: {  	s3 =	sadd.s32 $0x88, s3;
	s6 =	simm.s32 @!p1 $0x1082;
	[sflag:s4] =	ssyncset.s32 $0xFFFFF086  }
0x25: {  	[simem:s6], [sflag:s4] =	dma.local [hbm:s3], $0xF7A  }
0x26: {  	[smem:$0x3FA0] =	sst s1;
	(tag) =	ssettag s2;
	_ =	strace s9  }
0x27: {  	s1 =	sld [smem:$0x3FB0]  }
0x28: {  	s2 =	sld [smem:$0x3FB1]  }
0x29: {  	s4 =	sld [smem:$0x3FB3]  }
0x2a: {  	p0 =	seq.s32 s5, $0x0;
	s5 =	sld [smem:$0x3FB4]  }
0x2b: {  	s6 =	sld [smem:$0x3FB5]  }
0x2c: {  	s7 =	sld [smem:$0x3FB6]  }
0x2d: {  	s3 =	simm.s32 $0x108;
	s8 =	sld [smem:$0x3FB7]  }
0x2e: {  	s3 =	simm.s32 @!p0 $0x1082;
	s9 =	sld [smem:$0x3FB8]  }
0x2f: {  	lr =	sadd.s32 s0, s3;
	s0 =	sld [smem:$0x3FAF]  }
0x30: {  	s3 =	sld [smem:$0x3FB2]  }
0x31: {  	[smem:$0x3FBB] =	sst s10  }
0x32: {  	s10 =	sld [smem:$0x3FB9];
	_ =	sdelay $0x3  }
0x33: {  	p0 =	seq.s32 s10, $0x1;
	s10 =	sld [smem:$0x3FBB];
	_ =	sdelay $0x3  }
0x34: {  	[smem:$0x3FBB] =	sst s10  }
0x35: {  	s10 =	sld [smem:$0x3FBA];
	_ =	sdelay $0x3  }
0x36: {  	p1 =	seq.s32 s10, $0x1;
	s10 =	sld [smem:$0x3FBB];
	_ =	sdelay $0x3  }
0x37: {  	[smem:$0x3FBB] =	sst s10  }
0x38: {  	s10 =	sld [smem:$0x3FBC]  }
0x39: {  	_ = 	snop;
	(pc) =	sbr.ind lr, $3  }
0x3a: {  	_ = 	snop  }
0x3b: {  	_ = 	snop  }
0x3c: {  	p2 =	seq.s32 s10, $0x1;
	s10 =	sld [smem:$0x3FBB]  }
0x3d: {  	_ =	shalt  }
0x3e: {  	_ =	shalt  }
0x3f: {  	_ =	shalt  }
0x40: {  	_ =	shalt  }
0x41: {  	_ =	shalt  }
0x42: {  	_ =	shalt  }
0x43: {  	_ =	shalt  }
0x44: {  	_ =	shalt  }
0x45: {  	_ =	shalt  }
0x46: {  	_ =	shalt  }
0x47: {  	_ =	shalt  }
0x48: {  	_ =	shalt  }
0x49: {  	_ =	shalt  }
0x4a: {  	_ =	shalt  }
0x4b: {  	_ =	shalt  }
0x4c: {  	_ =	shalt  }
0x4d: {  	_ =	shalt  }
0x4e: {  	_ =	shalt  }
0x4f: {  	_ =	shalt  }
0x50: {  	_ =	shalt  }
0x51: {  	_ =	shalt  }
0x52: {  	_ =	shalt  }
0x53: {  	_ =	shalt  }
0x54: {  	_ =	shalt  }
0x55: {  	_ =	shalt  }
0x56: {  	_ =	shalt  }
0x57: {  	_ =	shalt  }
0x58: {  	_ =	shalt  }
0x59: {  	_ =	shalt  }
0x5a: {  	_ =	shalt  }
0x5b: {  	_ =	shalt  }
0x5c: {  	_ =	shalt  }
0x5d: {  	_ =	shalt  }
0x5e: {  	_ =	shalt  }
0x5f: {  	_ =	shalt  }
0x60: {  	_ =	shalt  }
0x61: {  	_ =	shalt  }
0x62: {  	_ =	shalt  }
0x63: {  	_ =	shalt  }
0x64: {  	_ =	shalt  }
0x65: {  	_ =	shalt  }
0x66: {  	_ =	shalt  }
0x67: {  	_ =	shalt  }
0x68: {  	_ =	shalt  }
0x69: {  	_ =	shalt  }
0x6a: {  	_ =	shalt  }
0x6b: {  	_ =	shalt  }
0x6c: {  	_ =	shalt  }
0x6d: {  	_ =	shalt  }
0x6e: {  	_ =	shalt  }
0x6f: {  	_ =	shalt  }
0x70: {  	_ =	shalt  }
0x71: {  	_ =	shalt  }
0x72: {  	_ =	shalt  }
0x73: {  	_ =	shalt  }
0x74: {  	_ =	shalt  }
0x75: {  	_ =	shalt  }
0x76: {  	_ =	shalt  }
0x77: {  	_ =	shalt  }
0x78: {  	_ =	shalt  }
0x79: {  	_ =	shalt  }
0x7a: {  	_ =	shalt  }
0x7b: {  	_ =	shalt  }
0x7c: {  	_ =	shalt  }
0x7d: {  	_ =	shalt  }
0x7e: {  	_ =	shalt  }
0x7f: {  	_ =	shalt  }
0x80: {  	_ =	shalt  }
0x81: {  	_ =	shalt  }
0x82: {  	_ =	shalt  }
0x83: {  	_ =	shalt  }
0x84: {  	_ =	shalt  }
0x85: {  	_ =	shalt  }
0x86: {  	_ =	shalt  }
0x87: {  	_ =	shalt  }
.Lfunc_end0:
.L_simem_size_0:
called_computation_lowered:
.L_overlay_start_0:
0x88: {  	s2 =	sld [smem:$0x3FD9]  }
0x89: {  	s3 =	sld [smem:$0x3FFE];
	_ =	sdelay $0x1  }
0x8a: {  	s1 =	srdreg.scid  }
0x8b: {  	s0 =	sand.u32 $0x1, s1  }
0x8c: {  	s14 =	sshll.u32 s0, $0xA;
	s2 =	sadd.s32 s3, s2  }
0x8d: {  	s2 =	sadd.s32 s2, s14  }
0x8e: {  	[smem:$0x3FC7] =	sst s2  }
0x8f: {  	_ = 	snop  }
0x90: {  	s2 =	sld [smem:$0x3FD0];
	_ =	sdelay $0x2  }
0x91: {  	s4 =	simm.s32 $0xA;
	s5 =	simm.s32 $0x10;
	s15 =	sld [smem:$0x3FC9]  }
0x92: {  	[smem:s5], [sflag:s4] =	dma.local [hbm:s2], $0x1  }
0x93: {  	_ =	swait.eq [sflag:s4], $0x1  }
0x94: {  	[sflag:s4] =	ssyncset.done $0x0  }
0x95: {  	[sflag:s4] =	ssyncadd.s32 $0xFFFFFFFF  }
0x96: {  	s16 =	sld [smem:$0x10];
	(tm) =	ssettm $0x1  }
0x97: {  	s17 =	sld [smem:$0x3FFB];
	_ =	sdelay $0x3  }
0x98: {  	_ =	strace s17  }
0x99: {  	s4 =	sld [smem:$0x3FFC];
	_ =	sdelay $0x3  }
0x9a: {  	_ =	strace s4  }
0x9b: {  	s4 =	sld [smem:$0x3FFD];
	_ =	sdelay $0x3  }
0x9c: {  	_ =	strace s4  }
0x9d: {  	_ =	strace $0x8FFFFFFF  }
0x9e: {  	s18 =	sld [smem:$0x3FDB];
	_ =	sdelay $0x1  }
0x9f: {  	s19 =	simm.s32 $_scs_section_size  }
0xa0: {  	s6 =	simm.s32 $_size__tile_overlayer_lowered;
	s7 =	simm.s32 $_tile_overlayer_lowered  }
0xa1: {  	s22 =	simm.s32 $0x1BFF;
	s21 =	sshll.u32 s7, $0x1;
	s4 =	sadd.s32 s19, s18  }
0xa2: {  	s8 =	simm.s32 $0x0;
	s20 =	sshll.u32 s6, $0x1;
	s6 =	sadd.s32 s21, s4  }
0xa3: {  	[timem:s8], [sflag:s22] =	dma.local [hbm:s6], s20  }
0xa4: {  	_ =	swait.ge [sflag:s22], s20  }
0xa5: {  	s5 =	ssub.s32 $0x0, s20;
	[sflag:s22] =	ssyncset.done $0x0  }
0xa6: {  	[sflag:s22] =	ssyncadd.s32 s5;
	_ =	sdelay $0x1  }
0xa7: {  	s23 =	simm.s32 $0x1B8B  }
0xa8: {  	_ =	swait.ge [sflag:s23], $0x1  }
0xa9: {  	[sflag:s23] =	ssyncset.done $0x0  }
0xaa: {  	s25 =	simm.s32 $0x1B8E;
	s24 =	sld [smem:$0x3FFE];
	[sflag:s23] =	ssyncadd.s32 $0xFFFFFFFF  }
0xab: {  	s26 =	simm.s32 $execute0_lowered;
	[smem:$0x3FD2] =	sst s25  }
0xac: {  	s6 =	sshll.u32 s26, $0x1;
	_ =	strace $0x80000046;
	[dreg:$0x1] =	wrdreg $0xFFFFFFFF  }
0xad: {  	s28 =	simm.s32 $_size_execute0_lowered;
	s4 =	sadd.s32 s4, s6;
	[dreg:$0x0] =	wrdreg $0x0  }
0xae: {  	s6 =	sshll.u32 s28, $0x1;
	[dreg:$0x2] =	wrdreg s4  }
0xaf: {  	[dreg:$0x3] =	wrdreg s6  }
0xb0: {  	[dreg:$0x4] =	wrdreg $0xC0  }
0xb1: {  	_ =	task [dreg:s8], $0x5FFFF  }
0xb2: {  	[dreg:$0x1] =	wrdreg $0xFFFFFFFF  }
0xb3: {  	[dreg:$0x0] =	wrdreg $0x60  }
0xb4: {  	[dreg:$0x2] =	wrdreg s15  }
0xb5: {  	[dreg:$0x3] =	wrdreg s24  }
0xb6: {  	[dreg:$0x4] =	wrdreg s16  }
0xb7: {  	[dreg:$0x5] =	wrdreg $0x9  }
0xb8: {  	_ =	task.clear_ibuf [dreg:s8], $0x6FFFF;
	_ =	strace $0x90000046  }
0xb9: {  	s29 =	simm.s32 $0x9;
	_ =	strace $0x80000048  }
0xba: {  	_ =	swait.ge [sflag:s29], $0x1  }
0xbb: {  	[sflag:s29] =	ssyncadd.s32 $0xFFFFFFFF  }
0xbc: {  	_ =	strace $0x90000048  }
0xbd: {  	_ =	sfence  }
0xbe: {  	s30 =	sld [smem:$0x0];
	_ =	sdelay $0x2  }
0xbf: {  	s31 =	sshll.u32 s1, $0xD;
	s1 =	sshrl.u32 s1, $0x2  }
0xc0: {  	s3 =	sand.u32 $0x4000, s31;
	s1 =	sadd.s32 s1, s30  }
0xc1: {  	s0 =	sor.u32 s3, s0;
	s1 =	sshll.u32 s1, $0x11  }
0xc2: {  	s0 =	sor.u32 s1, s0  }
0xc3: {  	s0 =	sadd.s32 $0x8F2B, s0  }
0xc4: {  	[sflag:s0] =	ssyncadd.remote.s32 $0x1  }
0xc5: {  	_ =	sfence.sel $0xFFFF  }
0xc6: {  	[dreg:$0x0] =	wrdreg $0xFFFFFFFF;
	(pc) =	sbr.abs _section_cstart, $3  }
0xc7: {  	[dreg:$0x1] =	wrdreg $0xFFFFFFFF  }
0xc8: {  	_ =	task.clear_ibuf [dreg:s8], $0x2FFFF;
	_ =	strace $0x9FFFFFFF  }
0xc9: {  	(tm) =	ssettm $0x7FFFFFFF  }
tec
execute0_lowered:
.L_overlay_start_1:
0x0: {  	(tag) =	ssettag $0x1  }
0x1: {  	s2 =	rddreg [dreg:$0x0]  }
0x2: {  	s0 =	srdreg.scid;
	s4 =	rddreg [dreg:$0x1]  }
0x3: {  	s1 =	stileid.u32;
	s5 =	rddreg [dreg:$0x2]  }
0x4: {  	s29 =	simm.s32 $0x1C00;
	s30 =	simm.s32 $0x2400;
	s31 =	simm.s32 $0x2C00  }
0x5: {  	s18 =	simm.s32 $0x3400;
	s0 =	sand.u32 $0x1, s0;
	s1 =	sshll.u32 s1, $0x1  }
0x6: {  	s19 =	simm.s32 $0x3C00;
	s12 =	simm.s32 $0x5400;
	s1 =	sor.u32 s0, s1  }
0x7: {  	s13 =	simm.s32 $0x5C00;
	s14 =	simm.s32 $0x6400;
	s3 =	smul.u32 $0x120, s1  }
0x8: {  	s15 =	simm.s32 $0x6C00;
	s16 =	simm.s32 $0x7400;
	s17 =	simm.s32 $0x7C00  }
0x9: {  	s28 =	simm.s32 $0xA400;
	s0 =	ssub.s32 $0x2, s0;
	s6 =	sshrl.u32 s3, $0x3  }
0xa: {  	s1 =	sshll.u32 s1, $0x7;
	s3 =	simm.s32 $0x0;
	s6 =	smul.u32 $0x300, s6  }
0xb: {  	s22 =	sshrl.u32 s0, $0x1;
	s1 =	sadd.s32 s4, s1;
	[smem:$0x7FF] =	sst s3  }
0xc: {  	_ =	strace $0x80000047;
	[dreg:$0x4] =	wrdreg s1;
	s20 =	sadd.s32 s5, s6  }
0xd: {  	s0 =	ssub.s32 s0, s22;
	s21 =	sadd.s32 $0x1200, s20;
	[dreg:$0xa] =	wrdreg s20  }
0xe: {  	s22 =	simm.s32 $0x9400;
	s23 =	sadd.s32 $0x2400, s20;
	[dreg:$0x5] =	wrdreg s21  }
0xf: {  	s4 =	simm.s32 $0x12400;
	s24 =	sadd.s32 $0x3600, s20;
	[dreg:$0x6] =	wrdreg s23  }
0x10: {  	s5 =	sadd.s32 $0x100, s2;
	s25 =	sadd.s32 $0x4800, s20;
	[dreg:$0x7] =	wrdreg s24  }
0x11: {  	v2 =	vlaneseq.u32;
	s6 =	sadd.s32 $0x200, s2;
	s26 =	sadd.s32 $0x5A00, s20;
	[dreg:$0x8] =	wrdreg s25  }
0x12: {  	vm0 =	vmmov $0xffff;
	v1 =	vshrl.u32 v2, $0x3;
	s20 =	smax.u32 s0, $0x1;
	[dreg:$0x9] =	wrdreg s26;
	s26 =	simm.s32 $0x1400  }
0x13: {  	v0 =	vand.u32 $0x7, v2;
	v2 =	vor.u32 $0x8, v2;
	v1 =	vmul.u32 $0x8, v1;
	s21 =	simm.s32 $0xBC00;
	s23 =	simm.s32 $0xC400;
	s24 =	simm.s32 $0xCC00  }
.LBB2_1:
0x14: {  	s25 =	rddreg [dreg:$0x4];
	s0 =	simm.s32 $0x7  }
0x15: {  	[tilespmem:s3], [sflag:$0x7] =	stream.linear.gather [hbm4b:s25+s3], $0x300, $0x38;
	[tilespmem:$0x1B400] =	vst v63  }
0x16: {  	_ =	swait.ge [sflag:s0], $0x300  }
0x17: {  	[sflag:s0] =	ssyncset.done $0x0  }
0x18: {  	[sflag:s0] =	ssyncadd.s32 $0xFFFFFD00  }
0x19: {  	v3 =	vld [tilespmem:$0x0];
	_ =	sdelay $0x4  }
0x1a: {  	v4 =	vshrl.u32 v3, $0x3  }
0x1b: {  	v4 =	vmul.u32 $0x30, v4  }
0x1c: {  	v3 =	vand.u32 $0x7, v3  }
0x1d: {  	v3 =	vor.u32 v3, v4  }
0x1e: {  	v4 =	vperm.xlane v3, v0;
	_ =	sdelay $0x1  }
0x1f: {  	v4 =	vadd.s32 v1, v4;
	_ =	sdelay $0x3  }
0x20: {  	s25 =	simm.s32 $0x400;
	v3 =	vperm.xlane v3, v2  }
0x21: {  	[tilespmem:s25], [sflag:$0x1] =	stream.indirect_vreg.gather [hbm4b:s2+s3], $0x80, v4, vm0, $0xb8;
	[tilespmem:$0x1B400] =	vst v63  }
0x22: {  	v3 =	vadd.s32 v1, v3;
	s25 =	simm.s32 $0xC00  }
0x23: {  	[tilespmem:s25], [sflag:$0x1] =	stream.indirect_vreg.gather [hbm4b:s5+s3], $0x80, v4, vm0, $0xb8;
	[tilespmem:$0x1B400] =	vst v63  }
0x24: {  	_ = 	snop  }
0x25: {  	[tilespmem:s26], [sflag:$0x1] =	stream.indirect_vreg.gather [hbm4b:s6+s3], $0x80, v4, vm0, $0xb8;
	[tilespmem:$0x1B400] =	vst v63  }
0x26: {  	_ = 	snop  }
0x27: {  	[tilespmem:s29], [sflag:$0x1] =	stream.indirect_vreg.gather [hbm4b:s2+s3], $0x80, v3, vm0, $0xb8;
	[tilespmem:$0x1B400] =	vst v63  }
0x28: {  	_ = 	snop  }
0x29: {  	[tilespmem:s30], [sflag:$0x1] =	stream.indirect_vreg.gather [hbm4b:s5+s3], $0x80, v3, vm0, $0xb8;
	[tilespmem:$0x1B400] =	vst v63  }
0x2a: {  	_ = 	snop  }
0x2b: {  	[tilespmem:s31], [sflag:$0x1] =	stream.indirect_vreg.gather [hbm4b:s6+s3], $0x80, v3, vm0, $0xb8;
	[tilespmem:$0x1B400] =	vst v63  }
0x2c: {  	v3 =	vld [tilespmem:$0x10];
	_ =	sdelay $0x4  }
0x2d: {  	v47 =	vshrl.u32 v3, $0x3  }
0x2e: {  	v4 =	vmul.u32 $0x30, v47  }
0x2f: {  	v3 =	vand.u32 $0x7, v3  }
0x30: {  	v3 =	vor.u32 v3, v4  }
0x31: {  	v4 =	vperm.xlane v3, v0;
	_ =	sdelay $0x1  }
0x32: {  	v4 =	vadd.s32 v1, v4;
	_ =	sdelay $0x3  }
0x33: {  	v3 =	vperm.xlane v3, v2  }
0x34: {  	[tilespmem:s18], [sflag:$0x1] =	stream.indirect_vreg.gather [hbm4b:s2+s3], $0x80, v4, vm0, $0xb8;
	[tilespmem:$0x1B400] =	vst v63  }
0x35: {  	v3 =	vadd.s32 v1, v3  }
0x36: {  	[tilespmem:s19], [sflag:$0x1] =	stream.indirect_vreg.gather [hbm4b:s5+s3], $0x80, v4, vm0, $0xb8;
	[tilespmem:$0x1B400] =	vst v63  }
0x37: {  	s10 =	simm.s32 $0x4400  }
0x38: {  	[tilespmem:s10], [sflag:$0x1] =	stream.indirect_vreg.gather [hbm4b:s6+s3], $0x80, v4, vm0, $0xb8;
	[tilespmem:$0x1B400] =	vst v63  }
0x39: {  	s11 =	simm.s32 $0x4C00  }
0x3a: {  	[tilespmem:s11], [sflag:$0x1] =	stream.indirect_vreg.gather [hbm4b:s2+s3], $0x80, v3, vm0, $0xb8;
	[tilespmem:$0x1B400] =	vst v63  }
0x3b: {  	_ = 	snop  }
0x3c: {  	[tilespmem:s12], [sflag:$0x1] =	stream.indirect_vreg.gather [hbm4b:s5+s3], $0x80, v3, vm0, $0xb8;
	[tilespmem:$0x1B400] =	vst v63  }
0x3d: {  	_ = 	snop  }
0x3e: {  	[tilespmem:s13], [sflag:$0x1] =	stream.indirect_vreg.gather [hbm4b:s6+s3], $0x80, v3, vm0, $0xb8;
	[tilespmem:$0x1B400] =	vst v63  }
0x3f: {  	v3 =	vld [tilespmem:$0x20];
	_ =	sdelay $0x4  }
0x40: {  	v48 =	vshrl.u32 v3, $0x3  }
0x41: {  	v4 =	vmul.u32 $0x30, v48  }
0x42: {  	v3 =	vand.u32 $0x7, v3  }
0x43: {  	v3 =	vor.u32 v3, v4  }
0x44: {  	v4 =	vperm.xlane v3, v0;
	_ =	sdelay $0x1  }
0x45: {  	v4 =	vadd.s32 v1, v4;
	_ =	sdelay $0x3  }
0x46: {  	v3 =	vperm.xlane v3, v2  }
0x47: {  	[tilespmem:s14], [sflag:$0x1] =	stream.indirect_vreg.gather [hbm4b:s2+s3], $0x80, v4, vm0, $0xb8;
	[tilespmem:$0x1B400] =	vst v63  }
0x48: {  	v3 =	vadd.s32 v1, v3  }
0x49: {  	[tilespmem:s15], [sflag:$0x1] =	stream.indirect_vreg.gather [hbm4b:s5+s3], $0x80, v4, vm0, $0xb8;
	[tilespmem:$0x1B400] =	vst v63  }
0x4a: {  	_ = 	snop  }
0x4b: {  	[tilespmem:s16], [sflag:$0x1] =	stream.indirect_vreg.gather [hbm4b:s6+s3], $0x80, v4, vm0, $0xb8;
	[tilespmem:$0x1B400] =	vst v63  }
0x4c: {  	_ = 	snop  }
0x4d: {  	[tilespmem:s17], [sflag:$0x1] =	stream.indirect_vreg.gather [hbm4b:s2+s3], $0x80, v3, vm0, $0xb8;
	[tilespmem:$0x1B400] =	vst v63  }
0x4e: {  	s8 =	simm.s32 $0x8400  }
0x4f: {  	[tilespmem:s8], [sflag:$0x1] =	stream.indirect_vreg.gather [hbm4b:s5+s3], $0x80, v3, vm0, $0xb8;
	[tilespmem:$0x1B400] =	vst v63  }
0x50: {  	s9 =	simm.s32 $0x8C00  }
0x51: {  	[tilespmem:s9], [sflag:$0x1] =	stream.indirect_vreg.gather [hbm4b:s6+s3], $0x80, v3, vm0, $0xb8;
	[tilespmem:$0x1B400] =	vst v63  }
0x52: {  	v3 =	vld [tilespmem:$0x80];
	_ =	sdelay $0x4  }
0x53: {  	v49 =	vshrl.u32 v3, $0x3  }
0x54: {  	v4 =	vmul.u32 $0x30, v49  }
0x55: {  	v3 =	vand.u32 $0x7, v3  }
0x56: {  	v3 =	vor.u32 v3, v4  }
0x57: {  	v4 =	vperm.xlane v3, v0;
	_ =	sdelay $0x1  }
0x58: {  	v4 =	vadd.s32 v1, v4;
	_ =	sdelay $0x3  }
0x59: {  	v3 =	vperm.xlane v3, v2  }
0x5a: {  	[tilespmem:s22], [sflag:$0x2] =	stream.indirect_vreg.gather [hbm4b:s2+s3], $0x80, v4, vm0, $0xb8;
	[tilespmem:$0x1B400] =	vst v63  }
0x5b: {  	s1 =	simm.s32 $0x9C00;
	v3 =	vadd.s32 v1, v3  }
0x5c: {  	[tilespmem:s1], [sflag:$0x2] =	stream.indirect_vreg.gather [hbm4b:s5+s3], $0x80, v4, vm0, $0xb8;
	[tilespmem:$0x1B400] =	vst v63  }
0x5d: {  	_ = 	snop  }
0x5e: {  	[tilespmem:s28], [sflag:$0x2] =	stream.indirect_vreg.gather [hbm4b:s6+s3], $0x80, v4, vm0, $0xb8;
	[tilespmem:$0x1B400] =	vst v63  }
0x5f: {  	s7 =	simm.s32 $0xAC00  }
0x60: {  	[tilespmem:s7], [sflag:$0x2] =	stream.indirect_vreg.gather [hbm4b:s2+s3], $0x80, v3, vm0, $0xb8;
	[tilespmem:$0x1B400] =	vst v63  }
0x61: {  	s1 =	simm.s32 $0xB400  }
0x62: {  	[tilespmem:s1], [sflag:$0x2] =	stream.indirect_vreg.gather [hbm4b:s5+s3], $0x80, v3, vm0, $0xb8;
	[tilespmem:$0x1B400] =	vst v63  }
0x63: {  	_ = 	snop  }
0x64: {  	[tilespmem:s21], [sflag:$0x2] =	stream.indirect_vreg.gather [hbm4b:s6+s3], $0x80, v3, vm0, $0xb8;
	[tilespmem:$0x1B400] =	vst v63  }
0x65: {  	v3 =	vld [tilespmem:$0x90];
	_ =	sdelay $0x4  }
0x66: {  	v50 =	vshrl.u32 v3, $0x3  }
0x67: {  	v4 =	vmul.u32 $0x30, v50  }
0x68: {  	v3 =	vand.u32 $0x7, v3  }
0x69: {  	v3 =	vor.u32 v3, v4  }
0x6a: {  	v4 =	vperm.xlane v3, v0;
	_ =	sdelay $0x1  }
0x6b: {  	v4 =	vadd.s32 v1, v4;
	_ =	sdelay $0x3  }
0x6c: {  	v3 =	vperm.xlane v3, v2  }
0x6d: {  	[tilespmem:s23], [sflag:$0x2] =	stream.indirect_vreg.gather [hbm4b:s2+s3], $0x80, v4, vm0, $0xb8;
	[tilespmem:$0x1B400] =	vst v63  }
0x6e: {  	v3 =	vadd.s32 v1, v3  }
0x6f: {  	[tilespmem:s24], [sflag:$0x2] =	stream.indirect_vreg.gather [hbm4b:s5+s3], $0x80, v4, vm0, $0xb8;
	[tilespmem:$0x1B400] =	vst v63  }
0x70: {  	s7 =	simm.s32 $0xD400  }
0x71: {  	[tilespmem:s7], [sflag:$0x2] =	stream.indirect_vreg.gather [hbm4b:s6+s3], $0x80, v4, vm0, $0xb8;
	[tilespmem:$0x1B400] =	vst v63  }
0x72: {  	s1 =	simm.s32 $0xDC00  }
0x73: {  	[tilespmem:s1], [sflag:$0x2] =	stream.indirect_vreg.gather [hbm4b:s2+s3], $0x80, v3, vm0, $0xb8;
	[tilespmem:$0x1B400] =	vst v63  }
0x74: {  	s7 =	simm.s32 $0xE400  }
0x75: {  	[tilespmem:s7], [sflag:$0x2] =	stream.indirect_vreg.gather [hbm4b:s5+s3], $0x80, v3, vm0, $0xb8;
	[tilespmem:$0x1B400] =	vst v63  }
0x76: {  	s1 =	simm.s32 $0xEC00  }
0x77: {  	[tilespmem:s1], [sflag:$0x2] =	stream.indirect_vreg.gather [hbm4b:s6+s3], $0x80, v3, vm0, $0xb8;
	[tilespmem:$0x1B400] =	vst v63  }
0x78: {  	v3 =	vld [tilespmem:$0xA0];
	_ =	sdelay $0x4  }
0x79: {  	v51 =	vshrl.u32 v3, $0x3  }
0x7a: {  	v4 =	vmul.u32 $0x30, v51  }
0x7b: {  	v3 =	vand.u32 $0x7, v3  }
0x7c: {  	v3 =	vor.u32 v3, v4  }
0x7d: {  	v4 =	vperm.xlane v3, v0;
	_ =	sdelay $0x1  }
0x7e: {  	v4 =	vadd.s32 v1, v4;
	_ =	sdelay $0x3  }
0x7f: {  	s7 =	simm.s32 $0xF400;
	v3 =	vperm.xlane v3, v2  }
0x80: {  	[tilespmem:s7], [sflag:$0x2] =	stream.indirect_vreg.gather [hbm4b:s2+s3], $0x80, v4, vm0, $0xb8;
	[tilespmem:$0x1B400] =	vst v63  }
0x81: {  	s1 =	simm.s32 $0xFC00;
	v3 =	vadd.s32 v1, v3  }
0x82: {  	[tilespmem:s1], [sflag:$0x2] =	stream.indirect_vreg.gather [hbm4b:s5+s3], $0x80, v4, vm0, $0xb8;
	[tilespmem:$0x1B400] =	vst v63  }
0x83: {  	s7 =	simm.s32 $0x10400  }
0x84: {  	[tilespmem:s7], [sflag:$0x2] =	stream.indirect_vreg.gather [hbm4b:s6+s3], $0x80, v4, vm0, $0xb8;
	[tilespmem:$0x1B400] =	vst v63  }
0x85: {  	s1 =	simm.s32 $0x10C00  }
0x86: {  	[tilespmem:s1], [sflag:$0x2] =	stream.indirect_vreg.gather [hbm4b:s2+s3], $0x80, v3, vm0, $0xb8;
	[tilespmem:$0x1B400] =	vst v63  }
0x87: {  	s7 =	simm.s32 $0x11400  }
0x88: {  	[tilespmem:s7], [sflag:$0x2] =	stream.indirect_vreg.gather [hbm4b:s5+s3], $0x80, v3, vm0, $0xb8;
	[tilespmem:$0x1B400] =	vst v63  }
0x89: {  	s1 =	simm.s32 $0x11C00  }
0x8a: {  	[tilespmem:s1], [sflag:$0x2] =	stream.indirect_vreg.gather [hbm4b:s6+s3], $0x80, v3, vm0, $0xb8;
	[tilespmem:$0x1B400] =	vst v63  }
0x8b: {  	v3 =	vld [tilespmem:$0x100];
	_ =	sdelay $0x4  }
0x8c: {  	v52 =	vshrl.u32 v3, $0x3  }
0x8d: {  	v4 =	vmul.u32 $0x30, v52  }
0x8e: {  	v3 =	vand.u32 $0x7, v3  }
0x8f: {  	v3 =	vor.u32 v3, v4  }
0x90: {  	v4 =	vperm.xlane v3, v0;
	_ =	sdelay $0x1  }
0x91: {  	v4 =	vadd.s32 v1, v4;
	_ =	sdelay $0x3  }
0x92: {  	v3 =	vperm.xlane v3, v2  }
0x93: {  	[tilespmem:s4], [sflag:$0x3] =	stream.indirect_vreg.gather [hbm4b:s2+s3], $0x80, v4, vm0, $0xb8;
	[tilespmem:$0x1B400] =	vst v63  }
0x94: {  	s7 =	simm.s32 $0x12C00;
	v3 =	vadd.s32 v1, v3  }
0x95: {  	[tilespmem:s7], [sflag:$0x3] =	stream.indirect_vreg.gather [hbm4b:s5+s3], $0x80, v4, vm0, $0xb8;
	[tilespmem:$0x1B400] =	vst v63  }
0x96: {  	s1 =	simm.s32 $0x13400  }
0x97: {  	[tilespmem:s1], [sflag:$0x3] =	stream.indirect_vreg.gather [hbm4b:s6+s3], $0x80, v4, vm0, $0xb8;
	[tilespmem:$0x1B400] =	vst v63  }
0x98: {  	s7 =	simm.s32 $0x13C00  }
0x99: {  	[tilespmem:s7], [sflag:$0x3] =	stream.indirect_vreg.gather [hbm4b:s2+s3], $0x80, v3, vm0, $0xb8;
	[tilespmem:$0x1B400] =	vst v63  }
0x9a: {  	s1 =	simm.s32 $0x14400  }
0x9b: {  	[tilespmem:s1], [sflag:$0x3] =	stream.indirect_vreg.gather [hbm4b:s5+s3], $0x80, v3, vm0, $0xb8;
	[tilespmem:$0x1B400] =	vst v63  }
0x9c: {  	s7 =	simm.s32 $0x14C00  }
0x9d: {  	[tilespmem:s7], [sflag:$0x3] =	stream.indirect_vreg.gather [hbm4b:s6+s3], $0x80, v3, vm0, $0xb8;
	[tilespmem:$0x1B400] =	vst v63  }
0x9e: {  	v3 =	vld [tilespmem:$0x110];
	_ =	sdelay $0x4  }
0x9f: {  	v53 =	vshrl.u32 v3, $0x3  }
0xa0: {  	v4 =	vmul.u32 $0x30, v53  }
0xa1: {  	v3 =	vand.u32 $0x7, v3  }
0xa2: {  	v3 =	vor.u32 v3, v4  }
0xa3: {  	v4 =	vperm.xlane v3, v0;
	_ =	sdelay $0x1  }
0xa4: {  	v4 =	vadd.s32 v1, v4;
	_ =	sdelay $0x3  }
0xa5: {  	s1 =	simm.s32 $0x15400;
	v3 =	vperm.xlane v3, v2  }
0xa6: {  	[tilespmem:s1], [sflag:$0x3] =	stream.indirect_vreg.gather [hbm4b:s2+s3], $0x80, v4, vm0, $0xb8;
	[tilespmem:$0x1B400] =	vst v63  }
0xa7: {  	s7 =	simm.s32 $0x15C00;
	v3 =	vadd.s32 v1, v3  }
0xa8: {  	[tilespmem:s7], [sflag:$0x3] =	stream.indirect_vreg.gather [hbm4b:s5+s3], $0x80, v4, vm0, $0xb8;
	[tilespmem:$0x1B400] =	vst v63  }
0xa9: {  	s1 =	simm.s32 $0x16400  }
0xaa: {  	[tilespmem:s1], [sflag:$0x3] =	stream.indirect_vreg.gather [hbm4b:s6+s3], $0x80, v4, vm0, $0xb8;
	[tilespmem:$0x1B400] =	vst v63  }
0xab: {  	s7 =	simm.s32 $0x16C00  }
0xac: {  	[tilespmem:s7], [sflag:$0x3] =	stream.indirect_vreg.gather [hbm4b:s2+s3], $0x80, v3, vm0, $0xb8;
	[tilespmem:$0x1B400] =	vst v63  }
0xad: {  	s1 =	simm.s32 $0x17400  }
0xae: {  	[tilespmem:s1], [sflag:$0x3] =	stream.indirect_vreg.gather [hbm4b:s5+s3], $0x80, v3, vm0, $0xb8;
	[tilespmem:$0x1B400] =	vst v63  }
0xaf: {  	s7 =	simm.s32 $0x17C00  }
0xb0: {  	[tilespmem:s7], [sflag:$0x3] =	stream.indirect_vreg.gather [hbm4b:s6+s3], $0x80, v3, vm0, $0xb8;
	[tilespmem:$0x1B400] =	vst v63  }
0xb1: {  	v3 =	vld [tilespmem:$0x120];
	_ =	sdelay $0x4  }
0xb2: {  	v54 =	vshrl.u32 v3, $0x3  }
0xb3: {  	v4 =	vmul.u32 $0x30, v54  }
0xb4: {  	v3 =	vand.u32 $0x7, v3  }
0xb5: {  	v3 =	vor.u32 v3, v4  }
0xb6: {  	v4 =	vperm.xlane v3, v0;
	_ =	sdelay $0x1  }
0xb7: {  	v4 =	vadd.s32 v1, v4;
	_ =	sdelay $0x3  }
0xb8: {  	s1 =	simm.s32 $0x18400;
	v3 =	vperm.xlane v3, v2  }
0xb9: {  	[tilespmem:s1], [sflag:$0x3] =	stream.indirect_vreg.gather [hbm4b:s2+s3], $0x80, v4, vm0, $0xb8;
	[tilespmem:$0x1B400] =	vst v63  }
0xba: {  	s7 =	simm.s32 $0x18C00;
	v3 =	vadd.s32 v1, v3  }
0xbb: {  	[tilespmem:s7], [sflag:$0x3] =	stream.indirect_vreg.gather [hbm4b:s5+s3], $0x80, v4, vm0, $0xb8;
	[tilespmem:$0x1B400] =	vst v63  }
0xbc: {  	s1 =	simm.s32 $0x19400  }
0xbd: {  	[tilespmem:s1], [sflag:$0x3] =	stream.indirect_vreg.gather [hbm4b:s6+s3], $0x80, v4, vm0, $0xb8;
	[tilespmem:$0x1B400] =	vst v63  }
0xbe: {  	s7 =	simm.s32 $0x19C00  }
0xbf: {  	[tilespmem:s7], [sflag:$0x3] =	stream.indirect_vreg.gather [hbm4b:s2+s3], $0x80, v3, vm0, $0xb8;
	[tilespmem:$0x1B400] =	vst v63  }
0xc0: {  	s1 =	simm.s32 $0x1A400  }
0xc1: {  	[tilespmem:s1], [sflag:$0x3] =	stream.indirect_vreg.gather [hbm4b:s5+s3], $0x80, v3, vm0, $0xb8;
	[tilespmem:$0x1B400] =	vst v63  }
0xc2: {  	s7 =	simm.s32 $0x1AC00;
	s1 =	simm.s32 $0x1  }
0xc3: {  	[tilespmem:s7], [sflag:$0x3] =	stream.indirect_vreg.gather [hbm4b:s6+s3], $0x80, v3, vm0, $0xb8;
	[tilespmem:$0x1B400] =	vst v63  }
0xc4: {  	_ =	swait.ge [sflag:s1], $0x9000  }
0xc5: {  	[sflag:s1] =	ssyncset.done $0x0  }
0xc6: {  	s7 =	simm.s32 $0x400;
	s0 =	rddreg [dreg:$0xa];
	[sflag:s1] =	ssyncadd.s32 $0xFFFF7000  }
0xc7: {  	[hbm4b:s0+s3] =	stream.linear.scatter [tilespmem:s7], [sflag:$0x4], $0x9000, $0x38;
	[tilespmem:$0x1B400] =	vst v63  }
0xc8: {  	s0 =	simm.s32 $0x4  }
0xc9: {  	_ =	swait.ge [sflag:s0], $0x9000  }
0xca: {  	[sflag:s0] =	ssyncset.done $0x0  }
0xcb: {  	[sflag:s0] =	ssyncadd.s32 $0xFFFF7000  }
0xcc: {  	v3 =	vld [tilespmem:$0x180];
	_ =	sdelay $0x4  }
0xcd: {  	v55 =	vshrl.u32 v3, $0x3  }
0xce: {  	v4 =	vmul.u32 $0x30, v55  }
0xcf: {  	v3 =	vand.u32 $0x7, v3  }
0xd0: {  	v3 =	vor.u32 v3, v4  }
0xd1: {  	v4 =	vperm.xlane v3, v0;
	_ =	sdelay $0x1  }
0xd2: {  	v4 =	vadd.s32 v1, v4;
	_ =	sdelay $0x3  }
0xd3: {  	v3 =	vperm.xlane v3, v2  }
0xd4: {  	[tilespmem:s7], [sflag:$0x1] =	stream.indirect_vreg.gather [hbm4b:s2+s3], $0x80, v4, vm0, $0xb8;
	[tilespmem:$0x1B400] =	vst v63  }
0xd5: {  	v3 =	vadd.s32 v1, v3  }
0xd6: {  	[tilespmem:s25], [sflag:$0x1] =	stream.indirect_vreg.gather [hbm4b:s5+s3], $0x80, v4, vm0, $0xb8;
	[tilespmem:$0x1B400] =	vst v63  }
0xd7: {  	_ = 	snop  }
0xd8: {  	[tilespmem:s26], [sflag:$0x1] =	stream.indirect_vreg.gather [hbm4b:s6+s3], $0x80, v4, vm0, $0xb8;
	[tilespmem:$0x1B400] =	vst v63  }
0xd9: {  	_ = 	snop  }
0xda: {  	[tilespmem:s29], [sflag:$0x1] =	stream.indirect_vreg.gather [hbm4b:s2+s3], $0x80, v3, vm0, $0xb8;
	[tilespmem:$0x1B400] =	vst v63  }
0xdb: {  	_ = 	snop  }
0xdc: {  	[tilespmem:s30], [sflag:$0x1] =	stream.indirect_vreg.gather [hbm4b:s5+s3], $0x80, v3, vm0, $0xb8;
	[tilespmem:$0x1B400] =	vst v63  }
0xdd: {  	_ = 	snop  }
0xde: {  	[tilespmem:s31], [sflag:$0x1] =	stream.indirect_vreg.gather [hbm4b:s6+s3], $0x80, v3, vm0, $0xb8;
	[tilespmem:$0x1B400] =	vst v63  }
0xdf: {  	v3 =	vld [tilespmem:$0x190];
	_ =	sdelay $0x4  }
0xe0: {  	v56 =	vshrl.u32 v3, $0x3  }
0xe1: {  	v4 =	vmul.u32 $0x30, v56  }
0xe2: {  	v3 =	vand.u32 $0x7, v3  }
0xe3: {  	v3 =	vor.u32 v3, v4  }
0xe4: {  	v4 =	vperm.xlane v3, v0;
	_ =	sdelay $0x1  }
0xe5: {  	v4 =	vadd.s32 v1, v4;
	_ =	sdelay $0x3  }
0xe6: {  	v3 =	vperm.xlane v3, v2  }
0xe7: {  	[tilespmem:s18], [sflag:$0x1] =	stream.indirect_vreg.gather [hbm4b:s2+s3], $0x80, v4, vm0, $0xb8;
	[tilespmem:$0x1B400] =	vst v63  }
0xe8: {  	v3 =	vadd.s32 v1, v3  }
0xe9: {  	[tilespmem:s19], [sflag:$0x1] =	stream.indirect_vreg.gather [hbm4b:s5+s3], $0x80, v4, vm0, $0xb8;
	[tilespmem:$0x1B400] =	vst v63  }
0xea: {  	_ = 	snop  }
0xeb: {  	[tilespmem:s10], [sflag:$0x1] =	stream.indirect_vreg.gather [hbm4b:s6+s3], $0x80, v4, vm0, $0xb8;
	[tilespmem:$0x1B400] =	vst v63  }
0xec: {  	_ = 	snop  }
0xed: {  	[tilespmem:s11], [sflag:$0x1] =	stream.indirect_vreg.gather [hbm4b:s2+s3], $0x80, v3, vm0, $0xb8;
	[tilespmem:$0x1B400] =	vst v63  }
0xee: {  	_ = 	snop  }
0xef: {  	[tilespmem:s12], [sflag:$0x1] =	stream.indirect_vreg.gather [hbm4b:s5+s3], $0x80, v3, vm0, $0xb8;
	[tilespmem:$0x1B400] =	vst v63  }
0xf0: {  	_ = 	snop  }
0xf1: {  	[tilespmem:s13], [sflag:$0x1] =	stream.indirect_vreg.gather [hbm4b:s6+s3], $0x80, v3, vm0, $0xb8;
	[tilespmem:$0x1B400] =	vst v63  }
0xf2: {  	v3 =	vld [tilespmem:$0x1A0];
	_ =	sdelay $0x4  }
0xf3: {  	v57 =	vshrl.u32 v3, $0x3  }
0xf4: {  	v4 =	vmul.u32 $0x30, v57  }
0xf5: {  	v3 =	vand.u32 $0x7, v3  }
0xf6: {  	v3 =	vor.u32 v3, v4  }
0xf7: {  	v4 =	vperm.xlane v3, v0;
	_ =	sdelay $0x1  }
0xf8: {  	v4 =	vadd.s32 v1, v4;
	_ =	sdelay $0x3  }
0xf9: {  	v3 =	vperm.xlane v3, v2  }
0xfa: {  	[tilespmem:s14], [sflag:$0x1] =	stream.indirect_vreg.gather [hbm4b:s2+s3], $0x80, v4, vm0, $0xb8;
	[tilespmem:$0x1B400] =	vst v63  }
0xfb: {  	v3 =	vadd.s32 v1, v3  }
0xfc: {  	[tilespmem:s15], [sflag:$0x1] =	stream.indirect_vreg.gather [hbm4b:s5+s3], $0x80, v4, vm0, $0xb8;
	[tilespmem:$0x1B400] =	vst v63  }
0xfd: {  	_ = 	snop  }
0xfe: {  	[tilespmem:s16], [sflag:$0x1] =	stream.indirect_vreg.gather [hbm4b:s6+s3], $0x80, v4, vm0, $0xb8;
	[tilespmem:$0x1B400] =	vst v63  }
0xff: {  	_ = 	snop  }
0x100: {  	[tilespmem:s17], [sflag:$0x1] =	stream.indirect_vreg.gather [hbm4b:s2+s3], $0x80, v3, vm0, $0xb8;
	[tilespmem:$0x1B400] =	vst v63  }
0x101: {  	_ = 	snop  }
0x102: {  	[tilespmem:s8], [sflag:$0x1] =	stream.indirect_vreg.gather [hbm4b:s5+s3], $0x80, v3, vm0, $0xb8;
	[tilespmem:$0x1B400] =	vst v63  }
0x103: {  	s8 =	simm.s32 $0x2  }
0x104: {  	[tilespmem:s9], [sflag:$0x1] =	stream.indirect_vreg.gather [hbm4b:s6+s3], $0x80, v3, vm0, $0xb8;
	[tilespmem:$0x1B400] =	vst v63  }
0x105: {  	_ =	swait.ge [sflag:s8], $0x9000  }
0x106: {  	[sflag:s8] =	ssyncset.done $0x0  }
0x107: {  	s9 =	rddreg [dreg:$0x5];
	[sflag:s8] =	ssyncadd.s32 $0xFFFF7000  }
0x108: {  	[hbm4b:s9+s3] =	stream.linear.scatter [tilespmem:s22], [sflag:$0x5], $0x9000, $0x38;
	[tilespmem:$0x1B400] =	vst v63  }
0x109: {  	s9 =	simm.s32 $0x5  }
0x10a: {  	_ =	swait.ge [sflag:s9], $0x9000  }
0x10b: {  	[sflag:s9] =	ssyncset.done $0x0  }
0x10c: {  	[sflag:s9] =	ssyncadd.s32 $0xFFFF7000  }
0x10d: {  	v3 =	vld [tilespmem:$0x200];
	_ =	sdelay $0x4  }
0x10e: {  	v58 =	vshrl.u32 v3, $0x3  }
0x10f: {  	v4 =	vmul.u32 $0x30, v58  }
0x110: {  	v3 =	vand.u32 $0x7, v3  }
0x111: {  	v3 =	vor.u32 v3, v4  }
0x112: {  	v4 =	vperm.xlane v3, v0;
	_ =	sdelay $0x1  }
0x113: {  	v4 =	vadd.s32 v1, v4;
	_ =	sdelay $0x3  }
0x114: {  	v3 =	vperm.xlane v3, v2  }
0x115: {  	[tilespmem:s22], [sflag:$0x2] =	stream.indirect_vreg.gather [hbm4b:s2+s3], $0x80, v4, vm0, $0xb8;
	[tilespmem:$0x1B400] =	vst v63  }
0x116: {  	s10 =	simm.s32 $0x9C00;
	v3 =	vadd.s32 v1, v3  }
0x117: {  	[tilespmem:s10], [sflag:$0x2] =	stream.indirect_vreg.gather [hbm4b:s5+s3], $0x80, v4, vm0, $0xb8;
	[tilespmem:$0x1B400] =	vst v63  }
0x118: {  	_ = 	snop  }
0x119: {  	[tilespmem:s28], [sflag:$0x2] =	stream.indirect_vreg.gather [hbm4b:s6+s3], $0x80, v4, vm0, $0xb8;
	[tilespmem:$0x1B400] =	vst v63  }
0x11a: {  	s11 =	simm.s32 $0xAC00  }
0x11b: {  	[tilespmem:s11], [sflag:$0x2] =	stream.indirect_vreg.gather [hbm4b:s2+s3], $0x80, v3, vm0, $0xb8;
	[tilespmem:$0x1B400] =	vst v63  }
0x11c: {  	s25 =	simm.s32 $0xB400  }
0x11d: {  	[tilespmem:s25], [sflag:$0x2] =	stream.indirect_vreg.gather [hbm4b:s5+s3], $0x80, v3, vm0, $0xb8;
	[tilespmem:$0x1B400] =	vst v63  }
0x11e: {  	_ = 	snop  }
0x11f: {  	[tilespmem:s21], [sflag:$0x2] =	stream.indirect_vreg.gather [hbm4b:s6+s3], $0x80, v3, vm0, $0xb8;
	[tilespmem:$0x1B400] =	vst v63  }
0x120: {  	v3 =	vld [tilespmem:$0x210];
	_ =	sdelay $0x4  }
0x121: {  	v59 =	vshrl.u32 v3, $0x3  }
0x122: {  	v4 =	vmul.u32 $0x30, v59  }
0x123: {  	v3 =	vand.u32 $0x7, v3  }
0x124: {  	v3 =	vor.u32 v3, v4  }
0x125: {  	v4 =	vperm.xlane v3, v0;
	_ =	sdelay $0x1  }
0x126: {  	v4 =	vadd.s32 v1, v4;
	_ =	sdelay $0x3  }
0x127: {  	v3 =	vperm.xlane v3, v2  }
0x128: {  	[tilespmem:s23], [sflag:$0x2] =	stream.indirect_vreg.gather [hbm4b:s2+s3], $0x80, v4, vm0, $0xb8;
	[tilespmem:$0x1B400] =	vst v63  }
0x129: {  	v3 =	vadd.s32 v1, v3  }
0x12a: {  	[tilespmem:s24], [sflag:$0x2] =	stream.indirect_vreg.gather [hbm4b:s5+s3], $0x80, v4, vm0, $0xb8;
	[tilespmem:$0x1B400] =	vst v63  }
0x12b: {  	s10 =	simm.s32 $0xD400  }
0x12c: {  	[tilespmem:s10], [sflag:$0x2] =	stream.indirect_vreg.gather [hbm4b:s6+s3], $0x80, v4, vm0, $0xb8;
	[tilespmem:$0x1B400] =	vst v63  }
0x12d: {  	s11 =	simm.s32 $0xDC00  }
0x12e: {  	[tilespmem:s11], [sflag:$0x2] =	stream.indirect_vreg.gather [hbm4b:s2+s3], $0x80, v3, vm0, $0xb8;
	[tilespmem:$0x1B400] =	vst v63  }
0x12f: {  	s25 =	simm.s32 $0xE400  }
0x130: {  	[tilespmem:s25], [sflag:$0x2] =	stream.indirect_vreg.gather [hbm4b:s5+s3], $0x80, v3, vm0, $0xb8;
	[tilespmem:$0x1B400] =	vst v63  }
0x131: {  	s10 =	simm.s32 $0xEC00  }
0x132: {  	[tilespmem:s10], [sflag:$0x2] =	stream.indirect_vreg.gather [hbm4b:s6+s3], $0x80, v3, vm0, $0xb8;
	[tilespmem:$0x1B400] =	vst v63  }
0x133: {  	v3 =	vld [tilespmem:$0x220];
	_ =	sdelay $0x4  }
0x134: {  	v60 =	vshrl.u32 v3, $0x3  }
0x135: {  	v4 =	vmul.u32 $0x30, v60  }
0x136: {  	v3 =	vand.u32 $0x7, v3  }
0x137: {  	v3 =	vor.u32 v3, v4  }
0x138: {  	v4 =	vperm.xlane v3, v0;
	_ =	sdelay $0x1  }
0x139: {  	v4 =	vadd.s32 v1, v4;
	_ =	sdelay $0x3  }
0x13a: {  	s11 =	simm.s32 $0xF400;
	v3 =	vperm.xlane v3, v2  }
0x13b: {  	[tilespmem:s11], [sflag:$0x2] =	stream.indirect_vreg.gather [hbm4b:s2+s3], $0x80, v4, vm0, $0xb8;
	[tilespmem:$0x1B400] =	vst v63  }
0x13c: {  	s25 =	simm.s32 $0xFC00;
	v3 =	vadd.s32 v1, v3  }
0x13d: {  	[tilespmem:s25], [sflag:$0x2] =	stream.indirect_vreg.gather [hbm4b:s5+s3], $0x80, v4, vm0, $0xb8;
	[tilespmem:$0x1B400] =	vst v63  }
0x13e: {  	s10 =	simm.s32 $0x10400  }
0x13f: {  	[tilespmem:s10], [sflag:$0x2] =	stream.indirect_vreg.gather [hbm4b:s6+s3], $0x80, v4, vm0, $0xb8;
	[tilespmem:$0x1B400] =	vst v63  }
0x140: {  	s11 =	simm.s32 $0x10C00  }
0x141: {  	[tilespmem:s11], [sflag:$0x2] =	stream.indirect_vreg.gather [hbm4b:s2+s3], $0x80, v3, vm0, $0xb8;
	[tilespmem:$0x1B400] =	vst v63  }
0x142: {  	s25 =	simm.s32 $0x11400  }
0x143: {  	[tilespmem:s25], [sflag:$0x2] =	stream.indirect_vreg.gather [hbm4b:s5+s3], $0x80, v3, vm0, $0xb8;
	[tilespmem:$0x1B400] =	vst v63  }
0x144: {  	s10 =	simm.s32 $0x11C00  }
0x145: {  	[tilespmem:s10], [sflag:$0x2] =	stream.indirect_vreg.gather [hbm4b:s6+s3], $0x80, v3, vm0, $0xb8;
	[tilespmem:$0x1B400] =	vst v63  }
0x146: {  	s10 =	simm.s32 $0x3  }
0x147: {  	_ =	swait.ge [sflag:s10], $0x9000  }
0x148: {  	[sflag:s10] =	ssyncset.done $0x0  }
0x149: {  	s11 =	rddreg [dreg:$0x6];
	[sflag:s10] =	ssyncadd.s32 $0xFFFF7000  }
0x14a: {  	[hbm4b:s11+s3] =	stream.linear.scatter [tilespmem:s4], [sflag:$0x6], $0x9000, $0x38;
	[tilespmem:$0x1B400] =	vst v63  }
0x14b: {  	s11 =	simm.s32 $0x6  }
0x14c: {  	_ =	swait.ge [sflag:s11], $0x9000  }
0x14d: {  	[sflag:s11] =	ssyncset.done $0x0  }
0x14e: {  	[sflag:s11] =	ssyncadd.s32 $0xFFFF7000  }
0x14f: {  	v3 =	vld [tilespmem:$0x280];
	_ =	sdelay $0x4  }
0x150: {  	v61 =	vshrl.u32 v3, $0x3  }
0x151: {  	v4 =	vmul.u32 $0x30, v61  }
0x152: {  	v3 =	vand.u32 $0x7, v3  }
0x153: {  	v3 =	vor.u32 v3, v4  }
0x154: {  	v4 =	vperm.xlane v3, v0;
	_ =	sdelay $0x1  }
0x155: {  	v4 =	vadd.s32 v1, v4;
	_ =	sdelay $0x3  }
0x156: {  	v3 =	vperm.xlane v3, v2  }
0x157: {  	[tilespmem:s4], [sflag:$0x3] =	stream.indirect_vreg.gather [hbm4b:s2+s3], $0x80, v4, vm0, $0xb8;
	[tilespmem:$0x1B400] =	vst v63  }
0x158: {  	s25 =	simm.s32 $0x12C00;
	v3 =	vadd.s32 v1, v3  }
0x159: {  	[tilespmem:s25], [sflag:$0x3] =	stream.indirect_vreg.gather [hbm4b:s5+s3], $0x80, v4, vm0, $0xb8;
	[tilespmem:$0x1B400] =	vst v63  }
0x15a: {  	s25 =	simm.s32 $0x13400  }
0x15b: {  	[tilespmem:s25], [sflag:$0x3] =	stream.indirect_vreg.gather [hbm4b:s6+s3], $0x80, v4, vm0, $0xb8;
	[tilespmem:$0x1B400] =	vst v63  }
0x15c: {  	s25 =	simm.s32 $0x13C00  }
0x15d: {  	[tilespmem:s25], [sflag:$0x3] =	stream.indirect_vreg.gather [hbm4b:s2+s3], $0x80, v3, vm0, $0xb8;
	[tilespmem:$0x1B400] =	vst v63  }
0x15e: {  	s25 =	simm.s32 $0x14400  }
0x15f: {  	[tilespmem:s25], [sflag:$0x3] =	stream.indirect_vreg.gather [hbm4b:s5+s3], $0x80, v3, vm0, $0xb8;
	[tilespmem:$0x1B400] =	vst v63  }
0x160: {  	s25 =	simm.s32 $0x14C00  }
0x161: {  	[tilespmem:s25], [sflag:$0x3] =	stream.indirect_vreg.gather [hbm4b:s6+s3], $0x80, v3, vm0, $0xb8;
	[tilespmem:$0x1B400] =	vst v63  }
0x162: {  	v3 =	vld [tilespmem:$0x290];
	_ =	sdelay $0x4  }
0x163: {  	v62 =	vshrl.u32 v3, $0x3  }
0x164: {  	v4 =	vmul.u32 $0x30, v62  }
0x165: {  	v3 =	vand.u32 $0x7, v3  }
0x166: {  	v3 =	vor.u32 v3, v4  }
0x167: {  	v4 =	vperm.xlane v3, v0;
	_ =	sdelay $0x1  }
0x168: {  	v4 =	vadd.s32 v1, v4;
	_ =	sdelay $0x3  }
0x169: {  	s25 =	simm.s32 $0x15400;
	v3 =	vperm.xlane v3, v2  }
0x16a: {  	[tilespmem:s25], [sflag:$0x3] =	stream.indirect_vreg.gather [hbm4b:s2+s3], $0x80, v4, vm0, $0xb8;
	[tilespmem:$0x1B400] =	vst v63  }
0x16b: {  	v3 =	vadd.s32 v1, v3;
	s25 =	simm.s32 $0x15C00  }
0x16c: {  	[tilespmem:s25], [sflag:$0x3] =	stream.indirect_vreg.gather [hbm4b:s5+s3], $0x80, v4, vm0, $0xb8;
	[tilespmem:$0x1B400] =	vst v63  }
0x16d: {  	s25 =	simm.s32 $0x16400  }
0x16e: {  	[tilespmem:s25], [sflag:$0x3] =	stream.indirect_vreg.gather [hbm4b:s6+s3], $0x80, v4, vm0, $0xb8;
	[tilespmem:$0x1B400] =	vst v63  }
0x16f: {  	s25 =	simm.s32 $0x16C00  }
0x170: {  	[tilespmem:s25], [sflag:$0x3] =	stream.indirect_vreg.gather [hbm4b:s2+s3], $0x80, v3, vm0, $0xb8;
	[tilespmem:$0x1B400] =	vst v63  }
0x171: {  	s25 =	simm.s32 $0x17400  }
0x172: {  	[tilespmem:s25], [sflag:$0x3] =	stream.indirect_vreg.gather [hbm4b:s5+s3], $0x80, v3, vm0, $0xb8;
	[tilespmem:$0x1B400] =	vst v63  }
0x173: {  	s25 =	simm.s32 $0x17C00  }
0x174: {  	[tilespmem:s25], [sflag:$0x3] =	stream.indirect_vreg.gather [hbm4b:s6+s3], $0x80, v3, vm0, $0xb8;
	[tilespmem:$0x1B400] =	vst v63  }
0x175: {  	v3 =	vld [tilespmem:$0x2A0];
	_ =	sdelay $0x4  }
0x176: {  	v63 =	vshrl.u32 v3, $0x3  }
0x177: {  	v4 =	vmul.u32 $0x30, v63  }
0x178: {  	v3 =	vand.u32 $0x7, v3  }
0x179: {  	v3 =	vor.u32 v3, v4  }
0x17a: {  	v4 =	vperm.xlane v3, v0;
	_ =	sdelay $0x1  }
0x17b: {  	v4 =	vadd.s32 v1, v4;
	_ =	sdelay $0x3  }
0x17c: {  	s25 =	simm.s32 $0x18400;
	v3 =	vperm.xlane v3, v2  }
0x17d: {  	[tilespmem:s25], [sflag:$0x3] =	stream.indirect_vreg.gather [hbm4b:s2+s3], $0x80, v4, vm0, $0xb8;
	[tilespmem:$0x1B400] =	vst v63  }
0x17e: {  	v3 =	vadd.s32 v1, v3;
	s25 =	simm.s32 $0x18C00  }
0x17f: {  	[tilespmem:s25], [sflag:$0x3] =	stream.indirect_vreg.gather [hbm4b:s5+s3], $0x80, v4, vm0, $0xb8;
	[tilespmem:$0x1B400] =	vst v63  }
0x180: {  	s25 =	simm.s32 $0x19400  }
0x181: {  	[tilespmem:s25], [sflag:$0x3] =	stream.indirect_vreg.gather [hbm4b:s6+s3], $0x80, v4, vm0, $0xb8;
	[tilespmem:$0x1B400] =	vst v63  }
0x182: {  	s25 =	simm.s32 $0x19C00  }
0x183: {  	[tilespmem:s25], [sflag:$0x3] =	stream.indirect_vreg.gather [hbm4b:s2+s3], $0x80, v3, vm0, $0xb8;
	[tilespmem:$0x1B400] =	vst v63  }
0x184: {  	s25 =	simm.s32 $0x1A400  }
0x185: {  	[tilespmem:s25], [sflag:$0x3] =	stream.indirect_vreg.gather [hbm4b:s5+s3], $0x80, v3, vm0, $0xb8;
	[tilespmem:$0x1B400] =	vst v63  }
0x186: {  	s25 =	simm.s32 $0x1AC00  }
0x187: {  	[tilespmem:s25], [sflag:$0x3] =	stream.indirect_vreg.gather [hbm4b:s6+s3], $0x80, v3, vm0, $0xb8;
	[tilespmem:$0x1B400] =	vst v63  }
0x188: {  	_ =	swait.ge [sflag:s1], $0x9000  }
0x189: {  	[sflag:s1] =	ssyncset.done $0x0  }
0x18a: {  	s7 =	simm.s32 $0x400;
	s25 =	rddreg [dreg:$0x7];
	[sflag:s1] =	ssyncadd.s32 $0xFFFF7000  }
0x18b: {  	[hbm4b:s25+s3] =	stream.linear.scatter [tilespmem:s7], [sflag:$0x4], $0x9000, $0x38;
	[tilespmem:$0x1B400] =	vst v63  }
0x18c: {  	_ =	swait.ge [sflag:s8], $0x9000  }
0x18d: {  	[sflag:s8] =	ssyncset.done $0x0  }
0x18e: {  	s7 =	rddreg [dreg:$0x8];
	[sflag:s8] =	ssyncadd.s32 $0xFFFF7000  }
0x18f: {  	[hbm4b:s7+s3] =	stream.linear.scatter [tilespmem:s22], [sflag:$0x5], $0x9000, $0x38;
	[tilespmem:$0x1B400] =	vst v63  }
0x190: {  	_ =	swait.ge [sflag:s10], $0x9000  }
0x191: {  	[sflag:s10] =	ssyncset.done $0x0  }
0x192: {  	s8 =	rddreg [dreg:$0x9];
	[sflag:s10] =	ssyncadd.s32 $0xFFFF7000  }
0x193: {  	[hbm4b:s8+s3] =	stream.linear.scatter [tilespmem:s4], [sflag:$0x6], $0x9000, $0x38;
	[tilespmem:$0x1B400] =	vst v63  }
0x194: {  	_ =	swait.ge [sflag:s0], $0x9000  }
0x195: {  	[sflag:s0] =	ssyncset.done $0x0  }
0x196: {  	[sflag:s0] =	ssyncadd.s32 $0xFFFF7000  }
0x197: {  	p0 =	sne.s32 s20, $0x1;
	_ =	swait.ge [sflag:s9], $0x9000  }
.Ltmp0:
0x198: {  	[sflag:s9] =	ssyncset.done $0x0;
	(pc) =	sbr.rel @p0 .LBB2_1-.Ltmp0, $4  }
0x199: {  	[sflag:s9] =	ssyncadd.s32 $0xFFFF7000  }
0x19a: {  	_ =	swait.ge [sflag:s11], $0x9000  }
0x19b: {  	[sflag:s11] =	ssyncset.done $0x0  }
0x19c: {  	s20 =	sadd.s32 $0xFFFFFFFF, s20;
	[sflag:s11] =	ssyncadd.s32 $0xFFFF7000  }
0x19d: {  	_ =	sfence.sel $0x180000  }
0x19e: {  	[bflag:$0x0] =	sbarrier.arrive $0xFFFF  }
0x19f: {  	_ =	strace $0x90000047  }
0x1a0: {  	s0 =	stileid.u32;
	[bflag:$0x2] =	sbarrier.arrive $0xFFFF  }
0x1a1: {  	p0 =	sne.s32 s0, $0x0;
	s0 =	rddreg [dreg:$0x3]  }
0x1a2: {  	s0 =	sadd.s32 @!p0 $0x100000, s0  }
0x1a3: {  	[sflag:s0] =	ssyncadd.tile.s32 @!p0 $0x1;
	_ =	shalt  }
.Lfunc_end2:
_tile_overlayer_lowered:
.L_overlay_start_2:
0x1a4: {  	(tag) =	ssettag $0x2  }
0x1a5: {  	s0 =	rddreg [dreg:$0x0];
	s2 =	stileid.u32  }
0x1a6: {  	s1 =	rddreg [dreg:$0x1];
	p0 =	sne.s32 s2, $0x0  }
0x1a7: {  	s3 =	rddreg [dreg:$0x2];
	[bflag:$0x3] =	sbarrier.arrive $0xFFFF;
	s2 =	simm.s32 @!p0 $0x1C07  }
0x1a8: {  	[timem:s3], [sflag:s2] =	dma.local @!p0 [hbm:s0], s1  }
0x1a9: {  	s0 =	simm.s32 @!p0 $0x7  }
0x1aa: {  	_ =	swait.ge @!p0 [sflag:s0], s1  }
0x1ab: {  	s1 =	ssub.s32 @!p0 $0x0, s1;
	[sflag:s0] =	ssyncset.done @!p0 $0x0  }
0x1ac: {  	[sflag:s0] =	ssyncadd.s32 @!p0 s1  }
0x1ad: {  	[bflag:$0x3] =	sbarrier.arrive $0xFFFF  }
0x1ae: {  	_ =	shalt  }

</sc_bundles>
